<compile_context>
chip_gen: v7x
topology: tpu7x:2x2x1
jax: 0.10.2.dev20260603
libtpu: 0.0.44.dev20260713+nightly
codegen_flags: <defaults>
</compile_context>

<pallas_src>
import functools

import jax
import jax.numpy as jnp
from jax import lax
from jax.experimental import pallas as pl
from jax.experimental.pallas import tpu as pltpu
from jax.experimental.pallas import tpu_sc as plsc

NC = 2
NS = 16
L = 16
NW = NC * NS
B = 16384
BPW = B // NW
NCHUNK = 4
CW = BPW // NCHUNK
NGRP = CW // L
D = 16
NSTUD = 1_000_000
COLW = 131_072


def _colsum_body(x_ref, o_ref):
    o_ref[...] = jnp.sum(x_ref[...], axis=0)


def _colsum(thetaT):
    grid = (NSTUD + COLW - 1) // COLW
    return pl.pallas_call(
        _colsum_body,
        grid=(grid,),
        in_specs=[pl.BlockSpec((D, COLW), lambda i: (0, i))],
        out_specs=pl.BlockSpec((COLW,), lambda i: (i,)),
        out_shape=jax.ShapeDtypeStruct((NSTUD,), jnp.float32),
    )(thetaT)


def _irt_body(sid_hbm, qid_hbm, csum_hbm, beta_hbm, out_hbm,
              sidx, qidx, cvals, bvals, outv, sem_c, sem_b):
    wid = lax.axis_index("s") * NC + lax.axis_index("c")
    pltpu.sync_copy(sid_hbm.at[wid], sidx)
    pltpu.sync_copy(qid_hbm.at[wid], qidx)

    ccopies = [pltpu.async_copy(csum_hbm.at[sidx.at[c]], cvals.at[c], sem_c)
               for c in range(NCHUNK)]
    bcopies = [pltpu.async_copy(beta_hbm.at[qidx.at[c]], bvals.at[c], sem_b)
               for c in range(NCHUNK)]
    for cp in ccopies:
        cp.wait()
    for cp in bcopies:
        cp.wait()

    for c in range(NCHUNK):
        for g in range(NGRP):
            sl = pl.ds(g * L, L)
            x = cvals[c, sl] - bvals[c, sl]
            outv[c, sl] = 1.0 / (1.0 + jnp.exp(-x))

    pltpu.sync_copy(outv, out_hbm.at[wid])


@functools.cache
def _build_irt_call():
    return pl.kernel(
        _irt_body,
        mesh=plsc.VectorSubcoreMesh(core_axis_name="c", subcore_axis_name="s"),
        compiler_params=pltpu.CompilerParams(
            needs_layout_passes=False, use_tc_tiling_on_sc=False),
        out_type=jax.ShapeDtypeStruct((NW, NCHUNK, CW), jnp.float32),
        scratch_types=[
            pltpu.VMEM((NCHUNK, CW), jnp.int32),
            pltpu.VMEM((NCHUNK, CW), jnp.int32),
            pltpu.VMEM((NCHUNK, CW), jnp.float32),
            pltpu.VMEM((NCHUNK, CW), jnp.float32),
            pltpu.VMEM((NCHUNK, CW), jnp.float32),
            pltpu.SemaphoreType.DMA,
            pltpu.SemaphoreType.DMA,
        ],
    )


def kernel(student_ids, question_ids, theta_table, beta_table):
    sid = student_ids.astype(jnp.int32).reshape(NW, NCHUNK, CW)
    qid = question_ids.astype(jnp.int32).reshape(NW, NCHUNK, CW)
    colsum = _colsum(theta_table.T)
    beta_flat = beta_table[:, 0]
    out = _build_irt_call()(sid, qid, colsum, beta_flat)
    return out.reshape(B, 1)

# --- scband reference (transcript-rebuilt; emitter-appended) ---
"""Pipeline reference for scband-irt-69698729279764 (READ-ONLY COPY).

The authoritative reference and input builder live on the scoring server;
editing this copy changes nothing except your own understanding.
"""

import jax, jax.numpy as jnp
import numpy as np

NUM_STUDENTS = 1000000
NUM_QUESTIONS = 100000
NUM_DIM = 16
BATCH = 16384


def _xavier_normal(key, shape):
    fan_in, fan_out = shape[1], shape[0]
    std = (2.0 / (fan_in + fan_out)) ** 0.5
    return jax.random.normal(key, shape, dtype=jnp.float32) * std


def setup_inputs(seed: int = 0) -> dict:
    key = jax.random.key(seed)
    k1, k2, k3, k4 = jax.random.split(key, 4)
    student_ids = jax.random.randint(k1, (BATCH,), 0, NUM_STUDENTS, dtype=jnp.int64 if jax.config.jax_enable_x64 else jnp.int32)
    question_ids = jax.random.randint(k2, (BATCH,), 0, NUM_QUESTIONS, dtype=jnp.int64 if jax.config.jax_enable_x64 else jnp.int32)
    theta_table = _xavier_normal(k3, (NUM_STUDENTS, NUM_DIM))
    beta_table = _xavier_normal(k4, (NUM_QUESTIONS, 1))
    return {
        "student_ids": student_ids,
        "question_ids": question_ids,
        "theta_table": theta_table,
        "beta_table": beta_table,
    }


def reference(student_ids, question_ids, theta_table, beta_table):
    theta = jnp.take(theta_table, student_ids, axis=0)  # [B, num_dim]
    beta = jnp.take(beta_table, question_ids, axis=0)   # [B, 1]
    pred = jnp.sum(theta, axis=1, keepdims=True) - beta
    pred = jax.nn.sigmoid(pred)
    return pred

if __name__ == "__main__":
    import jax
    _d = setup_inputs()
    print(jax.jit(kernel)(*tuple(_d.values())))

</pallas_src>

<mosaic_0001>
#map = affine_map<(d0, d1) -> (0, 0, 0)>
#map1 = affine_map<(d0, d1) -> (0)>
module attributes {stable_mosaic.version = 14 : i64} {
  func.func @_irt_body(%arg0: i32, %arg1: i32, %arg2: memref<32x4x128xi32, #tpu.memory_space<hbm>>, %arg3: memref<32x4x128xi32, #tpu.memory_space<hbm>>, %arg4: memref<1000000xf32, #tpu.memory_space<hbm>>, %arg5: memref<100000xf32, #tpu.memory_space<hbm>>, %arg6: memref<32x4x128xf32, #tpu.memory_space<hbm>>, %arg7: memref<4x128xi32, #tpu.memory_space<vmem>>, %arg8: memref<4x128xi32, #tpu.memory_space<vmem>>, %arg9: memref<4x128xf32, #tpu.memory_space<vmem>>, %arg10: memref<4x128xf32, #tpu.memory_space<vmem>>, %arg11: memref<4x128xf32, #tpu.memory_space<vmem>>, %arg12: memref<!tpu.dma_semaphore, #tpu.memory_space<semaphore_mem>>, %arg13: memref<!tpu.dma_semaphore, #tpu.memory_space<semaphore_mem>>) attributes {dimension_semantics = [#tpu.dimension_semantics<core_parallel>, #tpu.dimension_semantics<subcore_parallel>], iteration_bounds = array<i64: 2, 16>, scalar_prefetch = 0 : i64, scratch_operands = 7 : i64, tpu.core_type = #tpu.core_type<sc_vector_subcore>, window_params = [{transform_indices = #map}, {transform_indices = #map}, {transform_indices = #map1}, {transform_indices = #map1}, {transform_indices = #map}]} {
    %mul3A = arith.constant 2 : i32
    %mul3A_0 = arith.muli %arg1, %mul3A : i32
    %add3A = arith.addi %mul3A_0, %arg0 : i32
    "tpu.region"() ({
      %run_scoped3A = tpu.sem_alloc : memref<!tpu.dma_semaphore, #tpu.memory_space<semaphore_mem>>
      %dma_start3A_889 = arith.constant 0 : i32
      %dma_start3A_890 = arith.constant 0 : i32
      %dma_start3A_891 = tpu.memref_slice %arg2[%add3A, %dma_start3A_889, %dma_start3A_890] : memref<32x4x128xi32, #tpu.memory_space<hbm>> -> memref<1x4x128xi32, #tpu.memory_space<hbm>>
      %dma_start3A_892 = tpu.memref_squeeze %dma_start3A_891 : memref<1x4x128xi32, #tpu.memory_space<hbm>> -> memref<4x128xi32, #tpu.memory_space<hbm>>
      %dma_start3A_893 = arith.constant 0 : i32
      %dma_start3A_894 = arith.constant 0 : i32
      %dma_start3A_895 = tpu.memref_slice %arg2[%add3A, %dma_start3A_893, %dma_start3A_894] : memref<32x4x128xi32, #tpu.memory_space<hbm>> -> memref<1x4x128xi32, #tpu.memory_space<hbm>>
      %dma_start3A_896 = tpu.memref_squeeze %dma_start3A_895 : memref<1x4x128xi32, #tpu.memory_space<hbm>> -> memref<4x128xi32, #tpu.memory_space<hbm>>
      tpu.enqueue_dma source(%dma_start3A_896 : memref<4x128xi32, #tpu.memory_space<hbm>>) target(%arg7 : memref<4x128xi32, #tpu.memory_space<vmem>>) target_semaphore(%run_scoped3A : memref<!tpu.dma_semaphore, #tpu.memory_space<semaphore_mem>>)
      %dma_wait3A_897 = arith.constant 0 : i32
      %dma_wait3A_898 = arith.constant 0 : i32
      %dma_wait3A_899 = tpu.memref_slice %arg2[%add3A, %dma_wait3A_897, %dma_wait3A_898] : memref<32x4x128xi32, #tpu.memory_space<hbm>> -> memref<1x4x128xi32, #tpu.memory_space<hbm>>
      %dma_wait3A_900 = tpu.memref_squeeze %dma_wait3A_899 : memref<1x4x128xi32, #tpu.memory_space<hbm>> -> memref<4x128xi32, #tpu.memory_space<hbm>>
      %dma_wait3A_901 = arith.constant 0 : i32
      %dma_wait3A_902 = arith.constant 0 : i32
      %dma_wait3A_903 = tpu.memref_slice %arg2[%add3A, %dma_wait3A_901, %dma_wait3A_902] : memref<32x4x128xi32, #tpu.memory_space<hbm>> -> memref<1x4x128xi32, #tpu.memory_space<hbm>>
      %dma_wait3A_904 = tpu.memref_squeeze %dma_wait3A_903 : memref<1x4x128xi32, #tpu.memory_space<hbm>> -> memref<4x128xi32, #tpu.memory_space<hbm>>
      tpu.wait_dma2 semaphore(%run_scoped3A : memref<!tpu.dma_semaphore, #tpu.memory_space<semaphore_mem>>) src(%dma_wait3A_904 : memref<4x128xi32, #tpu.memory_space<hbm>>) dst(%arg7 : memref<4x128xi32, #tpu.memory_space<vmem>>)
      tpu.yield
    }) : () -> ()
    "tpu.region"() ({
      %run_scoped3A = tpu.sem_alloc : memref<!tpu.dma_semaphore, #tpu.memory_space<semaphore_mem>>
      %dma_start3A_889 = arith.constant 0 : i32
      %dma_start3A_890 = arith.constant 0 : i32
      %dma_start3A_891 = tpu.memref_slice %arg3[%add3A, %dma_start3A_889, %dma_start3A_890] : memref<32x4x128xi32, #tpu.memory_space<hbm>> -> memref<1x4x128xi32, #tpu.memory_space<hbm>>
      %dma_start3A_892 = tpu.memref_squeeze %dma_start3A_891 : memref<1x4x128xi32, #tpu.memory_space<hbm>> -> memref<4x128xi32, #tpu.memory_space<hbm>>
      %dma_start3A_893 = arith.constant 0 : i32
      %dma_start3A_894 = arith.constant 0 : i32
      %dma_start3A_895 = tpu.memref_slice %arg3[%add3A, %dma_start3A_893, %dma_start3A_894] : memref<32x4x128xi32, #tpu.memory_space<hbm>> -> memref<1x4x128xi32, #tpu.memory_space<hbm>>
      %dma_start3A_896 = tpu.memref_squeeze %dma_start3A_895 : memref<1x4x128xi32, #tpu.memory_space<hbm>> -> memref<4x128xi32, #tpu.memory_space<hbm>>
      tpu.enqueue_dma source(%dma_start3A_896 : memref<4x128xi32, #tpu.memory_space<hbm>>) target(%arg8 : memref<4x128xi32, #tpu.memory_space<vmem>>) target_semaphore(%run_scoped3A : memref<!tpu.dma_semaphore, #tpu.memory_space<semaphore_mem>>)
      %dma_wait3A_897 = arith.constant 0 : i32
      %dma_wait3A_898 = arith.constant 0 : i32
      %dma_wait3A_899 = tpu.memref_slice %arg3[%add3A, %dma_wait3A_897, %dma_wait3A_898] : memref<32x4x128xi32, #tpu.memory_space<hbm>> -> memref<1x4x128xi32, #tpu.memory_space<hbm>>
      %dma_wait3A_900 = tpu.memref_squeeze %dma_wait3A_899 : memref<1x4x128xi32, #tpu.memory_space<hbm>> -> memref<4x128xi32, #tpu.memory_space<hbm>>
      %dma_wait3A_901 = arith.constant 0 : i32
      %dma_wait3A_902 = arith.constant 0 : i32
      %dma_wait3A_903 = tpu.memref_slice %arg3[%add3A, %dma_wait3A_901, %dma_wait3A_902] : memref<32x4x128xi32, #tpu.memory_space<hbm>> -> memref<1x4x128xi32, #tpu.memory_space<hbm>>
      %dma_wait3A_904 = tpu.memref_squeeze %dma_wait3A_903 : memref<1x4x128xi32, #tpu.memory_space<hbm>> -> memref<4x128xi32, #tpu.memory_space<hbm>>
      tpu.wait_dma2 semaphore(%run_scoped3A : memref<!tpu.dma_semaphore, #tpu.memory_space<semaphore_mem>>) src(%dma_wait3A_904 : memref<4x128xi32, #tpu.memory_space<hbm>>) dst(%arg8 : memref<4x128xi32, #tpu.memory_space<vmem>>)
      tpu.yield
    }) : () -> ()
    %dma_start3A = arith.constant 0 : i32
    %dma_start3A_1 = arith.constant 0 : i32
    %dma_start3A_2 = arith.constant 0 : i32
    %dma_start3A_3 = tpu.memref_slice %arg9[%dma_start3A_1, %dma_start3A_2] : memref<4x128xf32, #tpu.memory_space<vmem>> -> memref<1x128xf32, #tpu.memory_space<vmem>>
    %dma_start3A_4 = tpu.memref_squeeze %dma_start3A_3 : memref<1x128xf32, #tpu.memory_space<vmem>> -> memref<128xf32, #tpu.memory_space<vmem>>
    %dma_start3A_5 = arith.constant 0 : i32
    %dma_start3A_6 = tpu.memref_slice %arg7[%dma_start3A, %dma_start3A_5] : memref<4x128xi32, #tpu.memory_space<vmem>> -> memref<1x128xi32, #tpu.memory_space<vmem>>
    %dma_start3A_7 = tpu.memref_squeeze %dma_start3A_6 : memref<1x128xi32, #tpu.memory_space<vmem>> -> memref<128xi32, #tpu.memory_space<vmem>>
    %dma_start3A_8 = arith.constant 0 : i32
    %dma_start3A_9 = tpu.memref_slice %arg4[%dma_start3A_8] : memref<1000000xf32, #tpu.memory_space<hbm>> -> memref<1000000xf32, #tpu.memory_space<hbm>>
    tpu.enqueue_indirect_dma source(%dma_start3A_9 : memref<1000000xf32, #tpu.memory_space<hbm>>) target(%dma_start3A_4 : memref<128xf32, #tpu.memory_space<vmem>>) offsets(%dma_start3A_7 : memref<128xi32, #tpu.memory_space<vmem>>) semaphore(%arg12 : memref<!tpu.dma_semaphore, #tpu.memory_space<semaphore_mem>>)
    %dma_start3A_10 = arith.constant 1 : i32
    %dma_start3A_11 = arith.constant 1 : i32
    %dma_start3A_12 = arith.constant 0 : i32
    %dma_start3A_13 = tpu.memref_slice %arg9[%dma_start3A_11, %dma_start3A_12] : memref<4x128xf32, #tpu.memory_space<vmem>> -> memref<1x128xf32, #tpu.memory_space<vmem>>
    %dma_start3A_14 = tpu.memref_squeeze %dma_start3A_13 : memref<1x128xf32, #tpu.memory_space<vmem>> -> memref<128xf32, #tpu.memory_space<vmem>>
    %dma_start3A_15 = arith.constant 0 : i32
    %dma_start3A_16 = tpu.memref_slice %arg7[%dma_start3A_10, %dma_start3A_15] : memref<4x128xi32, #tpu.memory_space<vmem>> -> memref<1x128xi32, #tpu.memory_space<vmem>>
    %dma_start3A_17 = tpu.memref_squeeze %dma_start3A_16 : memref<1x128xi32, #tpu.memory_space<vmem>> -> memref<128xi32, #tpu.memory_space<vmem>>
    %dma_start3A_18 = arith.constant 0 : i32
    %dma_start3A_19 = tpu.memref_slice %arg4[%dma_start3A_18] : memref<1000000xf32, #tpu.memory_space<hbm>> -> memref<1000000xf32, #tpu.memory_space<hbm>>
    tpu.enqueue_indirect_dma source(%dma_start3A_19 : memref<1000000xf32, #tpu.memory_space<hbm>>) target(%dma_start3A_14 : memref<128xf32, #tpu.memory_space<vmem>>) offsets(%dma_start3A_17 : memref<128xi32, #tpu.memory_space<vmem>>) semaphore(%arg12 : memref<!tpu.dma_semaphore, #tpu.memory_space<semaphore_mem>>)
    %dma_start3A_20 = arith.constant 2 : i32
    %dma_start3A_21 = arith.constant 2 : i32
    %dma_start3A_22 = arith.constant 0 : i32
    %dma_start3A_23 = tpu.memref_slice %arg9[%dma_start3A_21, %dma_start3A_22] : memref<4x128xf32, #tpu.memory_space<vmem>> -> memref<1x128xf32, #tpu.memory_space<vmem>>
    %dma_start3A_24 = tpu.memref_squeeze %dma_start3A_23 : memref<1x128xf32, #tpu.memory_space<vmem>> -> memref<128xf32, #tpu.memory_space<vmem>>
    %dma_start3A_25 = arith.constant 0 : i32
    %dma_start3A_26 = tpu.memref_slice %arg7[%dma_start3A_20, %dma_start3A_25] : memref<4x128xi32, #tpu.memory_space<vmem>> -> memref<1x128xi32, #tpu.memory_space<vmem>>
    %dma_start3A_27 = tpu.memref_squeeze %dma_start3A_26 : memref<1x128xi32, #tpu.memory_space<vmem>> -> memref<128xi32, #tpu.memory_space<vmem>>
    %dma_start3A_28 = arith.constant 0 : i32
    %dma_start3A_29 = tpu.memref_slice %arg4[%dma_start3A_28] : memref<1000000xf32, #tpu.memory_space<hbm>> -> memref<1000000xf32, #tpu.memory_space<hbm>>
    tpu.enqueue_indirect_dma source(%dma_start3A_29 : memref<1000000xf32, #tpu.memory_space<hbm>>) target(%dma_start3A_24 : memref<128xf32, #tpu.memory_space<vmem>>) offsets(%dma_start3A_27 : memref<128xi32, #tpu.memory_space<vmem>>) semaphore(%arg12 : memref<!tpu.dma_semaphore, #tpu.memory_space<semaphore_mem>>)
    %dma_start3A_30 = arith.constant 3 : i32
    %dma_start3A_31 = arith.constant 3 : i32
    %dma_start3A_32 = arith.constant 0 : i32
    %dma_start3A_33 = tpu.memref_slice %arg9[%dma_start3A_31, %dma_start3A_32] : memref<4x128xf32, #tpu.memory_space<vmem>> -> memref<1x128xf32, #tpu.memory_space<vmem>>
    %dma_start3A_34 = tpu.memref_squeeze %dma_start3A_33 : memref<1x128xf32, #tpu.memory_space<vmem>> -> memref<128xf32, #tpu.memory_space<vmem>>
    %dma_start3A_35 = arith.constant 0 : i32
    %dma_start3A_36 = tpu.memref_slice %arg7[%dma_start3A_30, %dma_start3A_35] : memref<4x128xi32, #tpu.memory_space<vmem>> -> memref<1x128xi32, #tpu.memory_space<vmem>>
    %dma_start3A_37 = tpu.memref_squeeze %dma_start3A_36 : memref<1x128xi32, #tpu.memory_space<vmem>> -> memref<128xi32, #tpu.memory_space<vmem>>
    %dma_start3A_38 = arith.constant 0 : i32
    %dma_start3A_39 = tpu.memref_slice %arg4[%dma_start3A_38] : memref<1000000xf32, #tpu.memory_space<hbm>> -> memref<1000000xf32, #tpu.memory_space<hbm>>
    tpu.enqueue_indirect_dma source(%dma_start3A_39 : memref<1000000xf32, #tpu.memory_space<hbm>>) target(%dma_start3A_34 : memref<128xf32, #tpu.memory_space<vmem>>) offsets(%dma_start3A_37 : memref<128xi32, #tpu.memory_space<vmem>>) semaphore(%arg12 : memref<!tpu.dma_semaphore, #tpu.memory_space<semaphore_mem>>)
    %dma_start3A_40 = arith.constant 0 : i32
    %dma_start3A_41 = arith.constant 0 : i32
    %dma_start3A_42 = arith.constant 0 : i32
    %dma_start3A_43 = tpu.memref_slice %arg10[%dma_start3A_41, %dma_start3A_42] : memref<4x128xf32, #tpu.memory_space<vmem>> -> memref<1x128xf32, #tpu.memory_space<vmem>>
    %dma_start3A_44 = tpu.memref_squeeze %dma_start3A_43 : memref<1x128xf32, #tpu.memory_space<vmem>> -> memref<128xf32, #tpu.memory_space<vmem>>
    %dma_start3A_45 = arith.constant 0 : i32
    %dma_start3A_46 = tpu.memref_slice %arg8[%dma_start3A_40, %dma_start3A_45] : memref<4x128xi32, #tpu.memory_space<vmem>> -> memref<1x128xi32, #tpu.memory_space<vmem>>
    %dma_start3A_47 = tpu.memref_squeeze %dma_start3A_46 : memref<1x128xi32, #tpu.memory_space<vmem>> -> memref<128xi32, #tpu.memory_space<vmem>>
    %dma_start3A_48 = arith.constant 0 : i32
    %dma_start3A_49 = tpu.memref_slice %arg5[%dma_start3A_48] : memref<100000xf32, #tpu.memory_space<hbm>> -> memref<100000xf32, #tpu.memory_space<hbm>>
    tpu.enqueue_indirect_dma source(%dma_start3A_49 : memref<100000xf32, #tpu.memory_space<hbm>>) target(%dma_start3A_44 : memref<128xf32, #tpu.memory_space<vmem>>) offsets(%dma_start3A_47 : memref<128xi32, #tpu.memory_space<vmem>>) semaphore(%arg13 : memref<!tpu.dma_semaphore, #tpu.memory_space<semaphore_mem>>)
    %dma_start3A_50 = arith.constant 1 : i32
    %dma_start3A_51 = arith.constant 1 : i32
    %dma_start3A_52 = arith.constant 0 : i32
    %dma_start3A_53 = tpu.memref_slice %arg10[%dma_start3A_51, %dma_start3A_52] : memref<4x128xf32, #tpu.memory_space<vmem>> -> memref<1x128xf32, #tpu.memory_space<vmem>>
    %dma_start3A_54 = tpu.memref_squeeze %dma_start3A_53 : memref<1x128xf32, #tpu.memory_space<vmem>> -> memref<128xf32, #tpu.memory_space<vmem>>
    %dma_start3A_55 = arith.constant 0 : i32
    %dma_start3A_56 = tpu.memref_slice %arg8[%dma_start3A_50, %dma_start3A_55] : memref<4x128xi32, #tpu.memory_space<vmem>> -> memref<1x128xi32, #tpu.memory_space<vmem>>
    %dma_start3A_57 = tpu.memref_squeeze %dma_start3A_56 : memref<1x128xi32, #tpu.memory_space<vmem>> -> memref<128xi32, #tpu.memory_space<vmem>>
    %dma_start3A_58 = arith.constant 0 : i32
    %dma_start3A_59 = tpu.memref_slice %arg5[%dma_start3A_58] : memref<100000xf32, #tpu.memory_space<hbm>> -> memref<100000xf32, #tpu.memory_space<hbm>>
    tpu.enqueue_indirect_dma source(%dma_start3A_59 : memref<100000xf32, #tpu.memory_space<hbm>>) target(%dma_start3A_54 : memref<128xf32, #tpu.memory_space<vmem>>) offsets(%dma_start3A_57 : memref<128xi32, #tpu.memory_space<vmem>>) semaphore(%arg13 : memref<!tpu.dma_semaphore, #tpu.memory_space<semaphore_mem>>)
    %dma_start3A_60 = arith.constant 2 : i32
    %dma_start3A_61 = arith.constant 2 : i32
    %dma_start3A_62 = arith.constant 0 : i32
    %dma_start3A_63 = tpu.memref_slice %arg10[%dma_start3A_61, %dma_start3A_62] : memref<4x128xf32, #tpu.memory_space<vmem>> -> memref<1x128xf32, #tpu.memory_space<vmem>>
    %dma_start3A_64 = tpu.memref_squeeze %dma_start3A_63 : memref<1x128xf32, #tpu.memory_space<vmem>> -> memref<128xf32, #tpu.memory_space<vmem>>
    %dma_start3A_65 = arith.constant 0 : i32
    %dma_start3A_66 = tpu.memref_slice %arg8[%dma_start3A_60, %dma_start3A_65] : memref<4x128xi32, #tpu.memory_space<vmem>> -> memref<1x128xi32, #tpu.memory_space<vmem>>
    %dma_start3A_67 = tpu.memref_squeeze %dma_start3A_66 : memref<1x128xi32, #tpu.memory_space<vmem>> -> memref<128xi32, #tpu.memory_space<vmem>>
    %dma_start3A_68 = arith.constant 0 : i32
    %dma_start3A_69 = tpu.memref_slice %arg5[%dma_start3A_68] : memref<100000xf32, #tpu.memory_space<hbm>> -> memref<100000xf32, #tpu.memory_space<hbm>>
    tpu.enqueue_indirect_dma source(%dma_start3A_69 : memref<100000xf32, #tpu.memory_space<hbm>>) target(%dma_start3A_64 : memref<128xf32, #tpu.memory_space<vmem>>) offsets(%dma_start3A_67 : memref<128xi32, #tpu.memory_space<vmem>>) semaphore(%arg13 : memref<!tpu.dma_semaphore, #tpu.memory_space<semaphore_mem>>)
    %dma_start3A_70 = arith.constant 3 : i32
    %dma_start3A_71 = arith.constant 3 : i32
    %dma_start3A_72 = arith.constant 0 : i32
    %dma_start3A_73 = tpu.memref_slice %arg10[%dma_start3A_71, %dma_start3A_72] : memref<4x128xf32, #tpu.memory_space<vmem>> -> memref<1x128xf32, #tpu.memory_space<vmem>>
    %dma_start3A_74 = tpu.memref_squeeze %dma_start3A_73 : memref<1x128xf32, #tpu.memory_space<vmem>> -> memref<128xf32, #tpu.memory_space<vmem>>
    %dma_start3A_75 = arith.constant 0 : i32
    %dma_start3A_76 = tpu.memref_slice %arg8[%dma_start3A_70, %dma_start3A_75] : memref<4x128xi32, #tpu.memory_space<vmem>> -> memref<1x128xi32, #tpu.memory_space<vmem>>
    %dma_start3A_77 = tpu.memref_squeeze %dma_start3A_76 : memref<1x128xi32, #tpu.memory_space<vmem>> -> memref<128xi32, #tpu.memory_space<vmem>>
    %dma_start3A_78 = arith.constant 0 : i32
    %dma_start3A_79 = tpu.memref_slice %arg5[%dma_start3A_78] : memref<100000xf32, #tpu.memory_space<hbm>> -> memref<100000xf32, #tpu.memory_space<hbm>>
    tpu.enqueue_indirect_dma source(%dma_start3A_79 : memref<100000xf32, #tpu.memory_space<hbm>>) target(%dma_start3A_74 : memref<128xf32, #tpu.memory_space<vmem>>) offsets(%dma_start3A_77 : memref<128xi32, #tpu.memory_space<vmem>>) semaphore(%arg13 : memref<!tpu.dma_semaphore, #tpu.memory_space<semaphore_mem>>)
    %dma_wait3A = arith.constant 0 : i32
    %dma_wait3A_80 = arith.constant 0 : i32
    %dma_wait3A_81 = arith.constant 0 : i32
    %dma_wait3A_82 = tpu.memref_slice %arg9[%dma_wait3A_80, %dma_wait3A_81] : memref<4x128xf32, #tpu.memory_space<vmem>> -> memref<1x128xf32, #tpu.memory_space<vmem>>
    %dma_wait3A_83 = tpu.memref_squeeze %dma_wait3A_82 : memref<1x128xf32, #tpu.memory_space<vmem>> -> memref<128xf32, #tpu.memory_space<vmem>>
    %dma_wait3A_84 = arith.constant 0 : i32
    %dma_wait3A_85 = tpu.memref_slice %arg7[%dma_wait3A, %dma_wait3A_84] : memref<4x128xi32, #tpu.memory_space<vmem>> -> memref<1x128xi32, #tpu.memory_space<vmem>>
    %dma_wait3A_86 = tpu.memref_squeeze %dma_wait3A_85 : memref<1x128xi32, #tpu.memory_space<vmem>> -> memref<128xi32, #tpu.memory_space<vmem>>
    %dma_wait3A_87 = arith.constant 0 : i32
    %dma_wait3A_88 = tpu.memref_slice %arg4[%dma_wait3A_87] : memref<1000000xf32, #tpu.memory_space<hbm>> -> memref<1000000xf32, #tpu.memory_space<hbm>>
    tpu.wait_indirect_dma semaphore(%arg12 : memref<!tpu.dma_semaphore, #tpu.memory_space<semaphore_mem>>) src(%dma_wait3A_88 : memref<1000000xf32, #tpu.memory_space<hbm>>) dst(%dma_wait3A_83 : memref<128xf32, #tpu.memory_space<vmem>>)
    %dma_wait3A_89 = arith.constant 1 : i32
    %dma_wait3A_90 = arith.constant 1 : i32
    %dma_wait3A_91 = arith.constant 0 : i32
    %dma_wait3A_92 = tpu.memref_slice %arg9[%dma_wait3A_90, %dma_wait3A_91] : memref<4x128xf32, #tpu.memory_space<vmem>> -> memref<1x128xf32, #tpu.memory_space<vmem>>
    %dma_wait3A_93 = tpu.memref_squeeze %dma_wait3A_92 : memref<1x128xf32, #tpu.memory_space<vmem>> -> memref<128xf32, #tpu.memory_space<vmem>>
    %dma_wait3A_94 = arith.constant 0 : i32
    %dma_wait3A_95 = tpu.memref_slice %arg7[%dma_wait3A_89, %dma_wait3A_94] : memref<4x128xi32, #tpu.memory_space<vmem>> -> memref<1x128xi32, #tpu.memory_space<vmem>>
    %dma_wait3A_96 = tpu.memref_squeeze %dma_wait3A_95 : memref<1x128xi32, #tpu.memory_space<vmem>> -> memref<128xi32, #tpu.memory_space<vmem>>
    %dma_wait3A_97 = arith.constant 0 : i32
    %dma_wait3A_98 = tpu.memref_slice %arg4[%dma_wait3A_97] : memref<1000000xf32, #tpu.memory_space<hbm>> -> memref<1000000xf32, #tpu.memory_space<hbm>>
    tpu.wait_indirect_dma semaphore(%arg12 : memref<!tpu.dma_semaphore, #tpu.memory_space<semaphore_mem>>) src(%dma_wait3A_98 : memref<1000000xf32, #tpu.memory_space<hbm>>) dst(%dma_wait3A_93 : memref<128xf32, #tpu.memory_space<vmem>>)
    %dma_wait3A_99 = arith.constant 2 : i32
    %dma_wait3A_100 = arith.constant 2 : i32
    %dma_wait3A_101 = arith.constant 0 : i32
    %dma_wait3A_102 = tpu.memref_slice %arg9[%dma_wait3A_100, %dma_wait3A_101] : memref<4x128xf32, #tpu.memory_space<vmem>> -> memref<1x128xf32, #tpu.memory_space<vmem>>
    %dma_wait3A_103 = tpu.memref_squeeze %dma_wait3A_102 : memref<1x128xf32, #tpu.memory_space<vmem>> -> memref<128xf32, #tpu.memory_space<vmem>>
    %dma_wait3A_104 = arith.constant 0 : i32
    %dma_wait3A_105 = tpu.memref_slice %arg7[%dma_wait3A_99, %dma_wait3A_104] : memref<4x128xi32, #tpu.memory_space<vmem>> -> memref<1x128xi32, #tpu.memory_space<vmem>>
    %dma_wait3A_106 = tpu.memref_squeeze %dma_wait3A_105 : memref<1x128xi32, #tpu.memory_space<vmem>> -> memref<128xi32, #tpu.memory_space<vmem>>
    %dma_wait3A_107 = arith.constant 0 : i32
    %dma_wait3A_108 = tpu.memref_slice %arg4[%dma_wait3A_107] : memref<1000000xf32, #tpu.memory_space<hbm>> -> memref<1000000xf32, #tpu.memory_space<hbm>>
    tpu.wait_indirect_dma semaphore(%arg12 : memref<!tpu.dma_semaphore, #tpu.memory_space<semaphore_mem>>) src(%dma_wait3A_108 : memref<1000000xf32, #tpu.memory_space<hbm>>) dst(%dma_wait3A_103 : memref<128xf32, #tpu.memory_space<vmem>>)
    %dma_wait3A_109 = arith.constant 3 : i32
    %dma_wait3A_110 = arith.constant 3 : i32
    %dma_wait3A_111 = arith.constant 0 : i32
    %dma_wait3A_112 = tpu.memref_slice %arg9[%dma_wait3A_110, %dma_wait3A_111] : memref<4x128xf32, #tpu.memory_space<vmem>> -> memref<1x128xf32, #tpu.memory_space<vmem>>
    %dma_wait3A_113 = tpu.memref_squeeze %dma_wait3A_112 : memref<1x128xf32, #tpu.memory_space<vmem>> -> memref<128xf32, #tpu.memory_space<vmem>>
    %dma_wait3A_114 = arith.constant 0 : i32
    %dma_wait3A_115 = tpu.memref_slice %arg7[%dma_wait3A_109, %dma_wait3A_114] : memref<4x128xi32, #tpu.memory_space<vmem>> -> memref<1x128xi32, #tpu.memory_space<vmem>>
    %dma_wait3A_116 = tpu.memref_squeeze %dma_wait3A_115 : memref<1x128xi32, #tpu.memory_space<vmem>> -> memref<128xi32, #tpu.memory_space<vmem>>
    %dma_wait3A_117 = arith.constant 0 : i32
    %dma_wait3A_118 = tpu.memref_slice %arg4[%dma_wait3A_117] : memref<1000000xf32, #tpu.memory_space<hbm>> -> memref<1000000xf32, #tpu.memory_space<hbm>>
    tpu.wait_indirect_dma semaphore(%arg12 : memref<!tpu.dma_semaphore, #tpu.memory_space<semaphore_mem>>) src(%dma_wait3A_118 : memref<1000000xf32, #tpu.memory_space<hbm>>) dst(%dma_wait3A_113 : memref<128xf32, #tpu.memory_space<vmem>>)
    %dma_wait3A_119 = arith.constant 0 : i32
    %dma_wait3A_120 = arith.constant 0 : i32
    %dma_wait3A_121 = arith.constant 0 : i32
    %dma_wait3A_122 = tpu.memref_slice %arg10[%dma_wait3A_120, %dma_wait3A_121] : memref<4x128xf32, #tpu.memory_space<vmem>> -> memref<1x128xf32, #tpu.memory_space<vmem>>
    %dma_wait3A_123 = tpu.memref_squeeze %dma_wait3A_122 : memref<1x128xf32, #tpu.memory_space<vmem>> -> memref<128xf32, #tpu.memory_space<vmem>>
    %dma_wait3A_124 = arith.constant 0 : i32
    %dma_wait3A_125 = tpu.memref_slice %arg8[%dma_wait3A_119, %dma_wait3A_124] : memref<4x128xi32, #tpu.memory_space<vmem>> -> memref<1x128xi32, #tpu.memory_space<vmem>>
    %dma_wait3A_126 = tpu.memref_squeeze %dma_wait3A_125 : memref<1x128xi32, #tpu.memory_space<vmem>> -> memref<128xi32, #tpu.memory_space<vmem>>
    %dma_wait3A_127 = arith.constant 0 : i32
    %dma_wait3A_128 = tpu.memref_slice %arg5[%dma_wait3A_127] : memref<100000xf32, #tpu.memory_space<hbm>> -> memref<100000xf32, #tpu.memory_space<hbm>>
    tpu.wait_indirect_dma semaphore(%arg13 : memref<!tpu.dma_semaphore, #tpu.memory_space<semaphore_mem>>) src(%dma_wait3A_128 : memref<100000xf32, #tpu.memory_space<hbm>>) dst(%dma_wait3A_123 : memref<128xf32, #tpu.memory_space<vmem>>)
    %dma_wait3A_129 = arith.constant 1 : i32
    %dma_wait3A_130 = arith.constant 1 : i32
    %dma_wait3A_131 = arith.constant 0 : i32
    %dma_wait3A_132 = tpu.memref_slice %arg10[%dma_wait3A_130, %dma_wait3A_131] : memref<4x128xf32, #tpu.memory_space<vmem>> -> memref<1x128xf32, #tpu.memory_space<vmem>>
    %dma_wait3A_133 = tpu.memref_squeeze %dma_wait3A_132 : memref<1x128xf32, #tpu.memory_space<vmem>> -> memref<128xf32, #tpu.memory_space<vmem>>
    %dma_wait3A_134 = arith.constant 0 : i32
    %dma_wait3A_135 = tpu.memref_slice %arg8[%dma_wait3A_129, %dma_wait3A_134] : memref<4x128xi32, #tpu.memory_space<vmem>> -> memref<1x128xi32, #tpu.memory_space<vmem>>
    %dma_wait3A_136 = tpu.memref_squeeze %dma_wait3A_135 : memref<1x128xi32, #tpu.memory_space<vmem>> -> memref<128xi32, #tpu.memory_space<vmem>>
    %dma_wait3A_137 = arith.constant 0 : i32
    %dma_wait3A_138 = tpu.memref_slice %arg5[%dma_wait3A_137] : memref<100000xf32, #tpu.memory_space<hbm>> -> memref<100000xf32, #tpu.memory_space<hbm>>
    tpu.wait_indirect_dma semaphore(%arg13 : memref<!tpu.dma_semaphore, #tpu.memory_space<semaphore_mem>>) src(%dma_wait3A_138 : memref<100000xf32, #tpu.memory_space<hbm>>) dst(%dma_wait3A_133 : memref<128xf32, #tpu.memory_space<vmem>>)
    %dma_wait3A_139 = arith.constant 2 : i32
    %dma_wait3A_140 = arith.constant 2 : i32
    %dma_wait3A_141 = arith.constant 0 : i32
    %dma_wait3A_142 = tpu.memref_slice %arg10[%dma_wait3A_140, %dma_wait3A_141] : memref<4x128xf32, #tpu.memory_space<vmem>> -> memref<1x128xf32, #tpu.memory_space<vmem>>
    %dma_wait3A_143 = tpu.memref_squeeze %dma_wait3A_142 : memref<1x128xf32, #tpu.memory_space<vmem>> -> memref<128xf32, #tpu.memory_space<vmem>>
    %dma_wait3A_144 = arith.constant 0 : i32
    %dma_wait3A_145 = tpu.memref_slice %arg8[%dma_wait3A_139, %dma_wait3A_144] : memref<4x128xi32, #tpu.memory_space<vmem>> -> memref<1x128xi32, #tpu.memory_space<vmem>>
    %dma_wait3A_146 = tpu.memref_squeeze %dma_wait3A_145 : memref<1x128xi32, #tpu.memory_space<vmem>> -> memref<128xi32, #tpu.memory_space<vmem>>
    %dma_wait3A_147 = arith.constant 0 : i32
    %dma_wait3A_148 = tpu.memref_slice %arg5[%dma_wait3A_147] : memref<100000xf32, #tpu.memory_space<hbm>> -> memref<100000xf32, #tpu.memory_space<hbm>>
    tpu.wait_indirect_dma semaphore(%arg13 : memref<!tpu.dma_semaphore, #tpu.memory_space<semaphore_mem>>) src(%dma_wait3A_148 : memref<100000xf32, #tpu.memory_space<hbm>>) dst(%dma_wait3A_143 : memref<128xf32, #tpu.memory_space<vmem>>)
    %dma_wait3A_149 = arith.constant 3 : i32
    %dma_wait3A_150 = arith.constant 3 : i32
    %dma_wait3A_151 = arith.constant 0 : i32
    %dma_wait3A_152 = tpu.memref_slice %arg10[%dma_wait3A_150, %dma_wait3A_151] : memref<4x128xf32, #tpu.memory_space<vmem>> -> memref<1x128xf32, #tpu.memory_space<vmem>>
    %dma_wait3A_153 = tpu.memref_squeeze %dma_wait3A_152 : memref<1x128xf32, #tpu.memory_space<vmem>> -> memref<128xf32, #tpu.memory_space<vmem>>
    %dma_wait3A_154 = arith.constant 0 : i32
    %dma_wait3A_155 = tpu.memref_slice %arg8[%dma_wait3A_149, %dma_wait3A_154] : memref<4x128xi32, #tpu.memory_space<vmem>> -> memref<1x128xi32, #tpu.memory_space<vmem>>
    %dma_wait3A_156 = tpu.memref_squeeze %dma_wait3A_155 : memref<1x128xi32, #tpu.memory_space<vmem>> -> memref<128xi32, #tpu.memory_space<vmem>>
    %dma_wait3A_157 = arith.constant 0 : i32
    %dma_wait3A_158 = tpu.memref_slice %arg5[%dma_wait3A_157] : memref<100000xf32, #tpu.memory_space<hbm>> -> memref<100000xf32, #tpu.memory_space<hbm>>
    tpu.wait_indirect_dma semaphore(%arg13 : memref<!tpu.dma_semaphore, #tpu.memory_space<semaphore_mem>>) src(%dma_wait3A_158 : memref<100000xf32, #tpu.memory_space<hbm>>) dst(%dma_wait3A_153 : memref<128xf32, #tpu.memory_space<vmem>>)
    %get3A = arith.constant 0 : i32
    %get3A_159 = arith.index_cast %get3A : i32 to index
    %get3A_160 = arith.constant 0 : index
    %get3A_161 = tpu.vector_load %arg9[%get3A_159, %get3A_160] {strides = array<i32>} : memref<4x128xf32, #tpu.memory_space<vmem>>, vector<16xf32>,
    %get3A_162 = arith.constant 0 : i32
    %get3A_163 = arith.index_cast %get3A_162 : i32 to index
    %get3A_164 = arith.constant 0 : index
    %get3A_165 = tpu.vector_load %arg10[%get3A_163, %get3A_164] {strides = array<i32>} : memref<4x128xf32, #tpu.memory_space<vmem>>, vector<16xf32>,
    %sub3A = arith.subf %get3A_161, %get3A_165 : vector<16xf32>
    %neg3A = arith.constant 0.000000e+00 : f32
    %neg3A_166 = vector.broadcast %neg3A : f32 to vector<16xf32>
    %neg3A_167 = arith.subf %neg3A_166, %sub3A : vector<16xf32>
    %exp3A = math.exp %neg3A_167 : vector<16xf32>
    %add3A_168 = arith.constant 1.000000e+00 : f32
    %add3A_169 = vector.broadcast %add3A_168 : f32 to vector<16xf32>
    %add3A_170 = arith.addf %add3A_169, %exp3A : vector<16xf32>
    %div3A = arith.constant 1.000000e+00 : f32
    %div3A_171 = vector.broadcast %div3A : f32 to vector<16xf32>
    %div3A_172 = arith.divf %div3A_171, %add3A_170 : vector<16xf32>
    %swap3A = arith.constant 0 : i32
    %swap3A_173 = arith.index_cast %swap3A : i32 to index
    %swap3A_174 = arith.constant 0 : index
    %swap3A_175 = tpu.vector_load %arg11[%swap3A_173, %swap3A_174] {strides = array<i32>} : memref<4x128xf32, #tpu.memory_space<vmem>>, vector<16xf32>,
    tpu.vector_store %arg11[%swap3A_173, %swap3A_174], %div3A_172 {strides = array<i32>} : memref<4x128xf32, #tpu.memory_space<vmem>>, vector<16xf32>,
    %get3A_176 = arith.constant 0 : i32
    %get3A_177 = arith.index_cast %get3A_176 : i32 to index
    %get3A_178 = arith.constant 16 : index
    %get3A_179 = tpu.vector_load %arg9[%get3A_177, %get3A_178] {strides = array<i32>} : memref<4x128xf32, #tpu.memory_space<vmem>>, vector<16xf32>,
    %get3A_180 = arith.constant 0 : i32
    %get3A_181 = arith.index_cast %get3A_180 : i32 to index
    %get3A_182 = arith.constant 16 : index
    %get3A_183 = tpu.vector_load %arg10[%get3A_181, %get3A_182] {strides = array<i32>} : memref<4x128xf32, #tpu.memory_space<vmem>>, vector<16xf32>,
    %sub3A_184 = arith.subf %get3A_179, %get3A_183 : vector<16xf32>
    %neg3A_185 = arith.constant 0.000000e+00 : f32
    %neg3A_186 = vector.broadcast %neg3A_185 : f32 to vector<16xf32>
    %neg3A_187 = arith.subf %neg3A_186, %sub3A_184 : vector<16xf32>
    %exp3A_188 = math.exp %neg3A_187 : vector<16xf32>
    %add3A_189 = arith.constant 1.000000e+00 : f32
    %add3A_190 = vector.broadcast %add3A_189 : f32 to vector<16xf32>
    %add3A_191 = arith.addf %add3A_190, %exp3A_188 : vector<16xf32>
    %div3A_192 = arith.constant 1.000000e+00 : f32
    %div3A_193 = vector.broadcast %div3A_192 : f32 to vector<16xf32>
    %div3A_194 = arith.divf %div3A_193, %add3A_191 : vector<16xf32>
    %swap3A_195 = arith.constant 0 : i32
    %swap3A_196 = arith.index_cast %swap3A_195 : i32 to index
    %swap3A_197 = arith.constant 16 : index
    %swap3A_198 = tpu.vector_load %arg11[%swap3A_196, %swap3A_197] {strides = array<i32>} : memref<4x128xf32, #tpu.memory_space<vmem>>, vector<16xf32>,
    tpu.vector_store %arg11[%swap3A_196, %swap3A_197], %div3A_194 {strides = array<i32>} : memref<4x128xf32, #tpu.memory_space<vmem>>, vector<16xf32>,
    %get3A_199 = arith.constant 0 : i32
    %get3A_200 = arith.index_cast %get3A_199 : i32 to index
    %get3A_201 = arith.constant 32 : index
    %get3A_202 = tpu.vector_load %arg9[%get3A_200, %get3A_201] {strides = array<i32>} : memref<4x128xf32, #tpu.memory_space<vmem>>, vector<16xf32>,
    %get3A_203 = arith.constant 0 : i32
    %get3A_204 = arith.index_cast %get3A_203 : i32 to index
    %get3A_205 = arith.constant 32 : index
    %get3A_206 = tpu.vector_load %arg10[%get3A_204, %get3A_205] {strides = array<i32>} : memref<4x128xf32, #tpu.memory_space<vmem>>, vector<16xf32>,
    %sub3A_207 = arith.subf %get3A_202, %get3A_206 : vector<16xf32>
    %neg3A_208 = arith.constant 0.000000e+00 : f32
    %neg3A_209 = vector.broadcast %neg3A_208 : f32 to vector<16xf32>
    %neg3A_210 = arith.subf %neg3A_209, %sub3A_207 : vector<16xf32>
    %exp3A_211 = math.exp %neg3A_210 : vector<16xf32>
    %add3A_212 = arith.constant 1.000000e+00 : f32
    %add3A_213 = vector.broadcast %add3A_212 : f32 to vector<16xf32>
    %add3A_214 = arith.addf %add3A_213, %exp3A_211 : vector<16xf32>
    %div3A_215 = arith.constant 1.000000e+00 : f32
    %div3A_216 = vector.broadcast %div3A_215 : f32 to vector<16xf32>
    %div3A_217 = arith.divf %div3A_216, %add3A_214 : vector<16xf32>
    %swap3A_218 = arith.constant 0 : i32
    %swap3A_219 = arith.index_cast %swap3A_218 : i32 to index
    %swap3A_220 = arith.constant 32 : index
    %swap3A_221 = tpu.vector_load %arg11[%swap3A_219, %swap3A_220] {strides = array<i32>} : memref<4x128xf32, #tpu.memory_space<vmem>>, vector<16xf32>,
    tpu.vector_store %arg11[%swap3A_219, %swap3A_220], %div3A_217 {strides = array<i32>} : memref<4x128xf32, #tpu.memory_space<vmem>>, vector<16xf32>,
    %get3A_222 = arith.constant 0 : i32
    %get3A_223 = arith.index_cast %get3A_222 : i32 to index
    %get3A_224 = arith.constant 48 : index
    %get3A_225 = tpu.vector_load %arg9[%get3A_223, %get3A_224] {strides = array<i32>} : memref<4x128xf32, #tpu.memory_space<vmem>>, vector<16xf32>,
    %get3A_226 = arith.constant 0 : i32
    %get3A_227 = arith.index_cast %get3A_226 : i32 to index
    %get3A_228 = arith.constant 48 : index
    %get3A_229 = tpu.vector_load %arg10[%get3A_227, %get3A_228] {strides = array<i32>} : memref<4x128xf32, #tpu.memory_space<vmem>>, vector<16xf32>,
    %sub3A_230 = arith.subf %get3A_225, %get3A_229 : vector<16xf32>
    %neg3A_231 = arith.constant 0.000000e+00 : f32
    %neg3A_232 = vector.broadcast %neg3A_231 : f32 to vector<16xf32>
    %neg3A_233 = arith.subf %neg3A_232, %sub3A_230 : vector<16xf32>
    %exp3A_234 = math.exp %neg3A_233 : vector<16xf32>
    %add3A_235 = arith.constant 1.000000e+00 : f32
    %add3A_236 = vector.broadcast %add3A_235 : f32 to vector<16xf32>
    %add3A_237 = arith.addf %add3A_236, %exp3A_234 : vector<16xf32>
    %div3A_238 = arith.constant 1.000000e+00 : f32
    %div3A_239 = vector.broadcast %div3A_238 : f32 to vector<16xf32>
    %div3A_240 = arith.divf %div3A_239, %add3A_237 : vector<16xf32>
    %swap3A_241 = arith.constant 0 : i32
    %swap3A_242 = arith.index_cast %swap3A_241 : i32 to index
    %swap3A_243 = arith.constant 48 : index
    %swap3A_244 = tpu.vector_load %arg11[%swap3A_242, %swap3A_243] {strides = array<i32>} : memref<4x128xf32, #tpu.memory_space<vmem>>, vector<16xf32>,
    tpu.vector_store %arg11[%swap3A_242, %swap3A_243], %div3A_240 {strides = array<i32>} : memref<4x128xf32, #tpu.memory_space<vmem>>, vector<16xf32>,
    %get3A_245 = arith.constant 0 : i32
    %get3A_246 = arith.index_cast %get3A_245 : i32 to index
    %get3A_247 = arith.constant 64 : index
    %get3A_248 = tpu.vector_load %arg9[%get3A_246, %get3A_247] {strides = array<i32>} : memref<4x128xf32, #tpu.memory_space<vmem>>, vector<16xf32>,
    %get3A_249 = arith.constant 0 : i32
    %get3A_250 = arith.index_cast %get3A_249 : i32 to index
    %get3A_251 = arith.constant 64 : index
    %get3A_252 = tpu.vector_load %arg10[%get3A_250, %get3A_251] {strides = array<i32>} : memref<4x128xf32, #tpu.memory_space<vmem>>, vector<16xf32>,
    %sub3A_253 = arith.subf %get3A_248, %get3A_252 : vector<16xf32>
    %neg3A_254 = arith.constant 0.000000e+00 : f32
    %neg3A_255 = vector.broadcast %neg3A_254 : f32 to vector<16xf32>
    %neg3A_256 = arith.subf %neg3A_255, %sub3A_253 : vector<16xf32>
    %exp3A_257 = math.exp %neg3A_256 : vector<16xf32>
    %add3A_258 = arith.constant 1.000000e+00 : f32
    %add3A_259 = vector.broadcast %add3A_258 : f32 to vector<16xf32>
    %add3A_260 = arith.addf %add3A_259, %exp3A_257 : vector<16xf32>
    %div3A_261 = arith.constant 1.000000e+00 : f32
    %div3A_262 = vector.broadcast %div3A_261 : f32 to vector<16xf32>
    %div3A_263 = arith.divf %div3A_262, %add3A_260 : vector<16xf32>
    %swap3A_264 = arith.constant 0 : i32
    %swap3A_265 = arith.index_cast %swap3A_264 : i32 to index
    %swap3A_266 = arith.constant 64 : index
    %swap3A_267 = tpu.vector_load %arg11[%swap3A_265, %swap3A_266] {strides = array<i32>} : memref<4x128xf32, #tpu.memory_space<vmem>>, vector<16xf32>,
    tpu.vector_store %arg11[%swap3A_265, %swap3A_266], %div3A_263 {strides = array<i32>} : memref<4x128xf32, #tpu.memory_space<vmem>>, vector<16xf32>,
    %get3A_268 = arith.constant 0 : i32
    %get3A_269 = arith.index_cast %get3A_268 : i32 to index
    %get3A_270 = arith.constant 80 : index
    %get3A_271 = tpu.vector_load %arg9[%get3A_269, %get3A_270] {strides = array<i32>} : memref<4x128xf32, #tpu.memory_space<vmem>>, vector<16xf32>,
    %get3A_272 = arith.constant 0 : i32
    %get3A_273 = arith.index_cast %get3A_272 : i32 to index
    %get3A_274 = arith.constant 80 : index
    %get3A_275 = tpu.vector_load %arg10[%get3A_273, %get3A_274] {strides = array<i32>} : memref<4x128xf32, #tpu.memory_space<vmem>>, vector<16xf32>,
    %sub3A_276 = arith.subf %get3A_271, %get3A_275 : vector<16xf32>
    %neg3A_277 = arith.constant 0.000000e+00 : f32
    %neg3A_278 = vector.broadcast %neg3A_277 : f32 to vector<16xf32>
    %neg3A_279 = arith.subf %neg3A_278, %sub3A_276 : vector<16xf32>
    %exp3A_280 = math.exp %neg3A_279 : vector<16xf32>
    %add3A_281 = arith.constant 1.000000e+00 : f32
    %add3A_282 = vector.broadcast %add3A_281 : f32 to vector<16xf32>
    %add3A_283 = arith.addf %add3A_282, %exp3A_280 : vector<16xf32>
    %div3A_284 = arith.constant 1.000000e+00 : f32
    %div3A_285 = vector.broadcast %div3A_284 : f32 to vector<16xf32>
    %div3A_286 = arith.divf %div3A_285, %add3A_283 : vector<16xf32>
    %swap3A_287 = arith.constant 0 : i32
    %swap3A_288 = arith.index_cast %swap3A_287 : i32 to index
    %swap3A_289 = arith.constant 80 : index
    %swap3A_290 = tpu.vector_load %arg11[%swap3A_288, %swap3A_289] {strides = array<i32>} : memref<4x128xf32, #tpu.memory_space<vmem>>, vector<16xf32>,
    tpu.vector_store %arg11[%swap3A_288, %swap3A_289], %div3A_286 {strides = array<i32>} : memref<4x128xf32, #tpu.memory_space<vmem>>, vector<16xf32>,
    %get3A_291 = arith.constant 0 : i32
    %get3A_292 = arith.index_cast %get3A_291 : i32 to index
    %get3A_293 = arith.constant 96 : index
    %get3A_294 = tpu.vector_load %arg9[%get3A_292, %get3A_293] {strides = array<i32>} : memref<4x128xf32, #tpu.memory_space<vmem>>, vector<16xf32>,
    %get3A_295 = arith.constant 0 : i32
    %get3A_296 = arith.index_cast %get3A_295 : i32 to index
    %get3A_297 = arith.constant 96 : index
    %get3A_298 = tpu.vector_load %arg10[%get3A_296, %get3A_297] {strides = array<i32>} : memref<4x128xf32, #tpu.memory_space<vmem>>, vector<16xf32>,
    %sub3A_299 = arith.subf %get3A_294, %get3A_298 : vector<16xf32>
    %neg3A_300 = arith.constant 0.000000e+00 : f32
    %neg3A_301 = vector.broadcast %neg3A_300 : f32 to vector<16xf32>
    %neg3A_302 = arith.subf %neg3A_301, %sub3A_299 : vector<16xf32>
    %exp3A_303 = math.exp %neg3A_302 : vector<16xf32>
    %add3A_304 = arith.constant 1.000000e+00 : f32
    %add3A_305 = vector.broadcast %add3A_304 : f32 to vector<16xf32>
    %add3A_306 = arith.addf %add3A_305, %exp3A_303 : vector<16xf32>
    %div3A_307 = arith.constant 1.000000e+00 : f32
    %div3A_308 = vector.broadcast %div3A_307 : f32 to vector<16xf32>
    %div3A_309 = arith.divf %div3A_308, %add3A_306 : vector<16xf32>
    %swap3A_310 = arith.constant 0 : i32
    %swap3A_311 = arith.index_cast %swap3A_310 : i32 to index
    %swap3A_312 = arith.constant 96 : index
    %swap3A_313 = tpu.vector_load %arg11[%swap3A_311, %swap3A_312] {strides = array<i32>} : memref<4x128xf32, #tpu.memory_space<vmem>>, vector<16xf32>,
    tpu.vector_store %arg11[%swap3A_311, %swap3A_312], %div3A_309 {strides = array<i32>} : memref<4x128xf32, #tpu.memory_space<vmem>>, vector<16xf32>,
    %get3A_314 = arith.constant 0 : i32
    %get3A_315 = arith.index_cast %get3A_314 : i32 to index
    %get3A_316 = arith.constant 112 : index
    %get3A_317 = tpu.vector_load %arg9[%get3A_315, %get3A_316] {strides = array<i32>} : memref<4x128xf32, #tpu.memory_space<vmem>>, vector<16xf32>,
    %get3A_318 = arith.constant 0 : i32
    %get3A_319 = arith.index_cast %get3A_318 : i32 to index
    %get3A_320 = arith.constant 112 : index
    %get3A_321 = tpu.vector_load %arg10[%get3A_319, %get3A_320] {strides = array<i32>} : memref<4x128xf32, #tpu.memory_space<vmem>>, vector<16xf32>,
    %sub3A_322 = arith.subf %get3A_317, %get3A_321 : vector<16xf32>
    %neg3A_323 = arith.constant 0.000000e+00 : f32
    %neg3A_324 = vector.broadcast %neg3A_323 : f32 to vector<16xf32>
    %neg3A_325 = arith.subf %neg3A_324, %sub3A_322 : vector<16xf32>
    %exp3A_326 = math.exp %neg3A_325 : vector<16xf32>
    %add3A_327 = arith.constant 1.000000e+00 : f32
    %add3A_328 = vector.broadcast %add3A_327 : f32 to vector<16xf32>
    %add3A_329 = arith.addf %add3A_328, %exp3A_326 : vector<16xf32>
    %div3A_330 = arith.constant 1.000000e+00 : f32
    %div3A_331 = vector.broadcast %div3A_330 : f32 to vector<16xf32>
    %div3A_332 = arith.divf %div3A_331, %add3A_329 : vector<16xf32>
    %swap3A_333 = arith.constant 0 : i32
    %swap3A_334 = arith.index_cast %swap3A_333 : i32 to index
    %swap3A_335 = arith.constant 112 : index
    %swap3A_336 = tpu.vector_load %arg11[%swap3A_334, %swap3A_335] {strides = array<i32>} : memref<4x128xf32, #tpu.memory_space<vmem>>, vector<16xf32>,
    tpu.vector_store %arg11[%swap3A_334, %swap3A_335], %div3A_332 {strides = array<i32>} : memref<4x128xf32, #tpu.memory_space<vmem>>, vector<16xf32>,
    %get3A_337 = arith.constant 1 : i32
    %get3A_338 = arith.index_cast %get3A_337 : i32 to index
    %get3A_339 = arith.constant 0 : index
    %get3A_340 = tpu.vector_load %arg9[%get3A_338, %get3A_339] {strides = array<i32>} : memref<4x128xf32, #tpu.memory_space<vmem>>, vector<16xf32>,
    %get3A_341 = arith.constant 1 : i32
    %get3A_342 = arith.index_cast %get3A_341 : i32 to index
    %get3A_343 = arith.constant 0 : index
    %get3A_344 = tpu.vector_load %arg10[%get3A_342, %get3A_343] {strides = array<i32>} : memref<4x128xf32, #tpu.memory_space<vmem>>, vector<16xf32>,
    %sub3A_345 = arith.subf %get3A_340, %get3A_344 : vector<16xf32>
    %neg3A_346 = arith.constant 0.000000e+00 : f32
    %neg3A_347 = vector.broadcast %neg3A_346 : f32 to vector<16xf32>
    %neg3A_348 = arith.subf %neg3A_347, %sub3A_345 : vector<16xf32>
    %exp3A_349 = math.exp %neg3A_348 : vector<16xf32>
    %add3A_350 = arith.constant 1.000000e+00 : f32
    %add3A_351 = vector.broadcast %add3A_350 : f32 to vector<16xf32>
    %add3A_352 = arith.addf %add3A_351, %exp3A_349 : vector<16xf32>
    %div3A_353 = arith.constant 1.000000e+00 : f32
    %div3A_354 = vector.broadcast %div3A_353 : f32 to vector<16xf32>
    %div3A_355 = arith.divf %div3A_354, %add3A_352 : vector<16xf32>
    %swap3A_356 = arith.constant 1 : i32
    %swap3A_357 = arith.index_cast %swap3A_356 : i32 to index
    %swap3A_358 = arith.constant 0 : index
    %swap3A_359 = tpu.vector_load %arg11[%swap3A_357, %swap3A_358] {strides = array<i32>} : memref<4x128xf32, #tpu.memory_space<vmem>>, vector<16xf32>,
    tpu.vector_store %arg11[%swap3A_357, %swap3A_358], %div3A_355 {strides = array<i32>} : memref<4x128xf32, #tpu.memory_space<vmem>>, vector<16xf32>,
    %get3A_360 = arith.constant 1 : i32
    %get3A_361 = arith.index_cast %get3A_360 : i32 to index
    %get3A_362 = arith.constant 16 : index
    %get3A_363 = tpu.vector_load %arg9[%get3A_361, %get3A_362] {strides = array<i32>} : memref<4x128xf32, #tpu.memory_space<vmem>>, vector<16xf32>,
    %get3A_364 = arith.constant 1 : i32
    %get3A_365 = arith.index_cast %get3A_364 : i32 to index
    %get3A_366 = arith.constant 16 : index
    %get3A_367 = tpu.vector_load %arg10[%get3A_365, %get3A_366] {strides = array<i32>} : memref<4x128xf32, #tpu.memory_space<vmem>>, vector<16xf32>,
    %sub3A_368 = arith.subf %get3A_363, %get3A_367 : vector<16xf32>
    %neg3A_369 = arith.constant 0.000000e+00 : f32
    %neg3A_370 = vector.broadcast %neg3A_369 : f32 to vector<16xf32>
    %neg3A_371 = arith.subf %neg3A_370, %sub3A_368 : vector<16xf32>
    %exp3A_372 = math.exp %neg3A_371 : vector<16xf32>
    %add3A_373 = arith.constant 1.000000e+00 : f32
    %add3A_374 = vector.broadcast %add3A_373 : f32 to vector<16xf32>
    %add3A_375 = arith.addf %add3A_374, %exp3A_372 : vector<16xf32>
    %div3A_376 = arith.constant 1.000000e+00 : f32
    %div3A_377 = vector.broadcast %div3A_376 : f32 to vector<16xf32>
    %div3A_378 = arith.divf %div3A_377, %add3A_375 : vector<16xf32>
    %swap3A_379 = arith.constant 1 : i32
    %swap3A_380 = arith.index_cast %swap3A_379 : i32 to index
    %swap3A_381 = arith.constant 16 : index
    %swap3A_382 = tpu.vector_load %arg11[%swap3A_380, %swap3A_381] {strides = array<i32>} : memref<4x128xf32, #tpu.memory_space<vmem>>, vector<16xf32>,
    tpu.vector_store %arg11[%swap3A_380, %swap3A_381], %div3A_378 {strides = array<i32>} : memref<4x128xf32, #tpu.memory_space<vmem>>, vector<16xf32>,
    %get3A_383 = arith.constant 1 : i32
    %get3A_384 = arith.index_cast %get3A_383 : i32 to index
    %get3A_385 = arith.constant 32 : index
    %get3A_386 = tpu.vector_load %arg9[%get3A_384, %get3A_385] {strides = array<i32>} : memref<4x128xf32, #tpu.memory_space<vmem>>, vector<16xf32>,
    %get3A_387 = arith.constant 1 : i32
    %get3A_388 = arith.index_cast %get3A_387 : i32 to index
    %get3A_389 = arith.constant 32 : index
    %get3A_390 = tpu.vector_load %arg10[%get3A_388, %get3A_389] {strides = array<i32>} : memref<4x128xf32, #tpu.memory_space<vmem>>, vector<16xf32>,
    %sub3A_391 = arith.subf %get3A_386, %get3A_390 : vector<16xf32>
    %neg3A_392 = arith.constant 0.000000e+00 : f32
    %neg3A_393 = vector.broadcast %neg3A_392 : f32 to vector<16xf32>
    %neg3A_394 = arith.subf %neg3A_393, %sub3A_391 : vector<16xf32>
    %exp3A_395 = math.exp %neg3A_394 : vector<16xf32>
    %add3A_396 = arith.constant 1.000000e+00 : f32
    %add3A_397 = vector.broadcast %add3A_396 : f32 to vector<16xf32>
    %add3A_398 = arith.addf %add3A_397, %exp3A_395 : vector<16xf32>
    %div3A_399 = arith.constant 1.000000e+00 : f32
    %div3A_400 = vector.broadcast %div3A_399 : f32 to vector<16xf32>
    %div3A_401 = arith.divf %div3A_400, %add3A_398 : vector<16xf32>
    %swap3A_402 = arith.constant 1 : i32
    %swap3A_403 = arith.index_cast %swap3A_402 : i32 to index
    %swap3A_404 = arith.constant 32 : index
    %swap3A_405 = tpu.vector_load %arg11[%swap3A_403, %swap3A_404] {strides = array<i32>} : memref<4x128xf32, #tpu.memory_space<vmem>>, vector<16xf32>,
    tpu.vector_store %arg11[%swap3A_403, %swap3A_404], %div3A_401 {strides = array<i32>} : memref<4x128xf32, #tpu.memory_space<vmem>>, vector<16xf32>,
    %get3A_406 = arith.constant 1 : i32
    %get3A_407 = arith.index_cast %get3A_406 : i32 to index
    %get3A_408 = arith.constant 48 : index
    %get3A_409 = tpu.vector_load %arg9[%get3A_407, %get3A_408] {strides = array<i32>} : memref<4x128xf32, #tpu.memory_space<vmem>>, vector<16xf32>,
    %get3A_410 = arith.constant 1 : i32
    %get3A_411 = arith.index_cast %get3A_410 : i32 to index
    %get3A_412 = arith.constant 48 : index
    %get3A_413 = tpu.vector_load %arg10[%get3A_411, %get3A_412] {strides = array<i32>} : memref<4x128xf32, #tpu.memory_space<vmem>>, vector<16xf32>,
    %sub3A_414 = arith.subf %get3A_409, %get3A_413 : vector<16xf32>
    %neg3A_415 = arith.constant 0.000000e+00 : f32
    %neg3A_416 = vector.broadcast %neg3A_415 : f32 to vector<16xf32>
    %neg3A_417 = arith.subf %neg3A_416, %sub3A_414 : vector<16xf32>
    %exp3A_418 = math.exp %neg3A_417 : vector<16xf32>
    %add3A_419 = arith.constant 1.000000e+00 : f32
    %add3A_420 = vector.broadcast %add3A_419 : f32 to vector<16xf32>
    %add3A_421 = arith.addf %add3A_420, %exp3A_418 : vector<16xf32>
    %div3A_422 = arith.constant 1.000000e+00 : f32
    %div3A_423 = vector.broadcast %div3A_422 : f32 to vector<16xf32>
    %div3A_424 = arith.divf %div3A_423, %add3A_421 : vector<16xf32>
    %swap3A_425 = arith.constant 1 : i32
    %swap3A_426 = arith.index_cast %swap3A_425 : i32 to index
    %swap3A_427 = arith.constant 48 : index
    %swap3A_428 = tpu.vector_load %arg11[%swap3A_426, %swap3A_427] {strides = array<i32>} : memref<4x128xf32, #tpu.memory_space<vmem>>, vector<16xf32>,
    tpu.vector_store %arg11[%swap3A_426, %swap3A_427], %div3A_424 {strides = array<i32>} : memref<4x128xf32, #tpu.memory_space<vmem>>, vector<16xf32>,
    %get3A_429 = arith.constant 1 : i32
    %get3A_430 = arith.index_cast %get3A_429 : i32 to index
    %get3A_431 = arith.constant 64 : index
    %get3A_432 = tpu.vector_load %arg9[%get3A_430, %get3A_431] {strides = array<i32>} : memref<4x128xf32, #tpu.memory_space<vmem>>, vector<16xf32>,
    %get3A_433 = arith.constant 1 : i32
    %get3A_434 = arith.index_cast %get3A_433 : i32 to index
    %get3A_435 = arith.constant 64 : index
    %get3A_436 = tpu.vector_load %arg10[%get3A_434, %get3A_435] {strides = array<i32>} : memref<4x128xf32, #tpu.memory_space<vmem>>, vector<16xf32>,
    %sub3A_437 = arith.subf %get3A_432, %get3A_436 : vector<16xf32>
    %neg3A_438 = arith.constant 0.000000e+00 : f32
    %neg3A_439 = vector.broadcast %neg3A_438 : f32 to vector<16xf32>
    %neg3A_440 = arith.subf %neg3A_439, %sub3A_437 : vector<16xf32>
    %exp3A_441 = math.exp %neg3A_440 : vector<16xf32>
    %add3A_442 = arith.constant 1.000000e+00 : f32
    %add3A_443 = vector.broadcast %add3A_442 : f32 to vector<16xf32>
    %add3A_444 = arith.addf %add3A_443, %exp3A_441 : vector<16xf32>
    %div3A_445 = arith.constant 1.000000e+00 : f32
    %div3A_446 = vector.broadcast %div3A_445 : f32 to vector<16xf32>
    %div3A_447 = arith.divf %div3A_446, %add3A_444 : vector<16xf32>
    %swap3A_448 = arith.constant 1 : i32
    %swap3A_449 = arith.index_cast %swap3A_448 : i32 to index
    %swap3A_450 = arith.constant 64 : index
    %swap3A_451 = tpu.vector_load %arg11[%swap3A_449, %swap3A_450] {strides = array<i32>} : memref<4x128xf32, #tpu.memory_space<vmem>>, vector<16xf32>,
    tpu.vector_store %arg11[%swap3A_449, %swap3A_450], %div3A_447 {strides = array<i32>} : memref<4x128xf32, #tpu.memory_space<vmem>>, vector<16xf32>,
    %get3A_452 = arith.constant 1 : i32
    %get3A_453 = arith.index_cast %get3A_452 : i32 to index
    %get3A_454 = arith.constant 80 : index
    %get3A_455 = tpu.vector_load %arg9[%get3A_453, %get3A_454] {strides = array<i32>} : memref<4x128xf32, #tpu.memory_space<vmem>>, vector<16xf32>,
    %get3A_456 = arith.constant 1 : i32
    %get3A_457 = arith.index_cast %get3A_456 : i32 to index
    %get3A_458 = arith.constant 80 : index
    %get3A_459 = tpu.vector_load %arg10[%get3A_457, %get3A_458] {strides = array<i32>} : memref<4x128xf32, #tpu.memory_space<vmem>>, vector<16xf32>,
    %sub3A_460 = arith.subf %get3A_455, %get3A_459 : vector<16xf32>
    %neg3A_461 = arith.constant 0.000000e+00 : f32
    %neg3A_462 = vector.broadcast %neg3A_461 : f32 to vector<16xf32>
    %neg3A_463 = arith.subf %neg3A_462, %sub3A_460 : vector<16xf32>
    %exp3A_464 = math.exp %neg3A_463 : vector<16xf32>
    %add3A_465 = arith.constant 1.000000e+00 : f32
    %add3A_466 = vector.broadcast %add3A_465 : f32 to vector<16xf32>
    %add3A_467 = arith.addf %add3A_466, %exp3A_464 : vector<16xf32>
    %div3A_468 = arith.constant 1.000000e+00 : f32
    %div3A_469 = vector.broadcast %div3A_468 : f32 to vector<16xf32>
    %div3A_470 = arith.divf %div3A_469, %add3A_467 : vector<16xf32>
    %swap3A_471 = arith.constant 1 : i32
    %swap3A_472 = arith.index_cast %swap3A_471 : i32 to index
    %swap3A_473 = arith.constant 80 : index
    %swap3A_474 = tpu.vector_load %arg11[%swap3A_472, %swap3A_473] {strides = array<i32>} : memref<4x128xf32, #tpu.memory_space<vmem>>, vector<16xf32>,
    tpu.vector_store %arg11[%swap3A_472, %swap3A_473], %div3A_470 {strides = array<i32>} : memref<4x128xf32, #tpu.memory_space<vmem>>, vector<16xf32>,
    %get3A_475 = arith.constant 1 : i32
    %get3A_476 = arith.index_cast %get3A_475 : i32 to index
    %get3A_477 = arith.constant 96 : index
    %get3A_478 = tpu.vector_load %arg9[%get3A_476, %get3A_477] {strides = array<i32>} : memref<4x128xf32, #tpu.memory_space<vmem>>, vector<16xf32>,
    %get3A_479 = arith.constant 1 : i32
    %get3A_480 = arith.index_cast %get3A_479 : i32 to index
    %get3A_481 = arith.constant 96 : index
    %get3A_482 = tpu.vector_load %arg10[%get3A_480, %get3A_481] {strides = array<i32>} : memref<4x128xf32, #tpu.memory_space<vmem>>, vector<16xf32>,
    %sub3A_483 = arith.subf %get3A_478, %get3A_482 : vector<16xf32>
    %neg3A_484 = arith.constant 0.000000e+00 : f32
    %neg3A_485 = vector.broadcast %neg3A_484 : f32 to vector<16xf32>
    %neg3A_486 = arith.subf %neg3A_485, %sub3A_483 : vector<16xf32>
    %exp3A_487 = math.exp %neg3A_486 : vector<16xf32>
    %add3A_488 = arith.constant 1.000000e+00 : f32
    %add3A_489 = vector.broadcast %add3A_488 : f32 to vector<16xf32>
    %add3A_490 = arith.addf %add3A_489, %exp3A_487 : vector<16xf32>
    %div3A_491 = arith.constant 1.000000e+00 : f32
    %div3A_492 = vector.broadcast %div3A_491 : f32 to vector<16xf32>
    %div3A_493 = arith.divf %div3A_492, %add3A_490 : vector<16xf32>
    %swap3A_494 = arith.constant 1 : i32
    %swap3A_495 = arith.index_cast %swap3A_494 : i32 to index
    %swap3A_496 = arith.constant 96 : index
    %swap3A_497 = tpu.vector_load %arg11[%swap3A_495, %swap3A_496] {strides = array<i32>} : memref<4x128xf32, #tpu.memory_space<vmem>>, vector<16xf32>,
    tpu.vector_store %arg11[%swap3A_495, %swap3A_496], %div3A_493 {strides = array<i32>} : memref<4x128xf32, #tpu.memory_space<vmem>>, vector<16xf32>,
    %get3A_498 = arith.constant 1 : i32
    %get3A_499 = arith.index_cast %get3A_498 : i32 to index
    %get3A_500 = arith.constant 112 : index
    %get3A_501 = tpu.vector_load %arg9[%get3A_499, %get3A_500] {strides = array<i32>} : memref<4x128xf32, #tpu.memory_space<vmem>>, vector<16xf32>,
    %get3A_502 = arith.constant 1 : i32
    %get3A_503 = arith.index_cast %get3A_502 : i32 to index
    %get3A_504 = arith.constant 112 : index
    %get3A_505 = tpu.vector_load %arg10[%get3A_503, %get3A_504] {strides = array<i32>} : memref<4x128xf32, #tpu.memory_space<vmem>>, vector<16xf32>,
    %sub3A_506 = arith.subf %get3A_501, %get3A_505 : vector<16xf32>
    %neg3A_507 = arith.constant 0.000000e+00 : f32
    %neg3A_508 = vector.broadcast %neg3A_507 : f32 to vector<16xf32>
    %neg3A_509 = arith.subf %neg3A_508, %sub3A_506 : vector<16xf32>
    %exp3A_510 = math.exp %neg3A_509 : vector<16xf32>
    %add3A_511 = arith.constant 1.000000e+00 : f32
    %add3A_512 = vector.broadcast %add3A_511 : f32 to vector<16xf32>
    %add3A_513 = arith.addf %add3A_512, %exp3A_510 : vector<16xf32>
    %div3A_514 = arith.constant 1.000000e+00 : f32
    %div3A_515 = vector.broadcast %div3A_514 : f32 to vector<16xf32>
    %div3A_516 = arith.divf %div3A_515, %add3A_513 : vector<16xf32>
    %swap3A_517 = arith.constant 1 : i32
    %swap3A_518 = arith.index_cast %swap3A_517 : i32 to index
    %swap3A_519 = arith.constant 112 : index
    %swap3A_520 = tpu.vector_load %arg11[%swap3A_518, %swap3A_519] {strides = array<i32>} : memref<4x128xf32, #tpu.memory_space<vmem>>, vector<16xf32>,
    tpu.vector_store %arg11[%swap3A_518, %swap3A_519], %div3A_516 {strides = array<i32>} : memref<4x128xf32, #tpu.memory_space<vmem>>, vector<16xf32>,
    %get3A_521 = arith.constant 2 : i32
    %get3A_522 = arith.index_cast %get3A_521 : i32 to index
    %get3A_523 = arith.constant 0 : index
    %get3A_524 = tpu.vector_load %arg9[%get3A_522, %get3A_523] {strides = array<i32>} : memref<4x128xf32, #tpu.memory_space<vmem>>, vector<16xf32>,
    %get3A_525 = arith.constant 2 : i32
    %get3A_526 = arith.index_cast %get3A_525 : i32 to index
    %get3A_527 = arith.constant 0 : index
    %get3A_528 = tpu.vector_load %arg10[%get3A_526, %get3A_527] {strides = array<i32>} : memref<4x128xf32, #tpu.memory_space<vmem>>, vector<16xf32>,
    %sub3A_529 = arith.subf %get3A_524, %get3A_528 : vector<16xf32>
    %neg3A_530 = arith.constant 0.000000e+00 : f32
    %neg3A_531 = vector.broadcast %neg3A_530 : f32 to vector<16xf32>
    %neg3A_532 = arith.subf %neg3A_531, %sub3A_529 : vector<16xf32>
    %exp3A_533 = math.exp %neg3A_532 : vector<16xf32>
    %add3A_534 = arith.constant 1.000000e+00 : f32
    %add3A_535 = vector.broadcast %add3A_534 : f32 to vector<16xf32>
    %add3A_536 = arith.addf %add3A_535, %exp3A_533 : vector<16xf32>
    %div3A_537 = arith.constant 1.000000e+00 : f32
    %div3A_538 = vector.broadcast %div3A_537 : f32 to vector<16xf32>
    %div3A_539 = arith.divf %div3A_538, %add3A_536 : vector<16xf32>
    %swap3A_540 = arith.constant 2 : i32
    %swap3A_541 = arith.index_cast %swap3A_540 : i32 to index
    %swap3A_542 = arith.constant 0 : index
    %swap3A_543 = tpu.vector_load %arg11[%swap3A_541, %swap3A_542] {strides = array<i32>} : memref<4x128xf32, #tpu.memory_space<vmem>>, vector<16xf32>,
    tpu.vector_store %arg11[%swap3A_541, %swap3A_542], %div3A_539 {strides = array<i32>} : memref<4x128xf32, #tpu.memory_space<vmem>>, vector<16xf32>,
    %get3A_544 = arith.constant 2 : i32
    %get3A_545 = arith.index_cast %get3A_544 : i32 to index
    %get3A_546 = arith.constant 16 : index
    %get3A_547 = tpu.vector_load %arg9[%get3A_545, %get3A_546] {strides = array<i32>} : memref<4x128xf32, #tpu.memory_space<vmem>>, vector<16xf32>,
    %get3A_548 = arith.constant 2 : i32
    %get3A_549 = arith.index_cast %get3A_548 : i32 to index
    %get3A_550 = arith.constant 16 : index
    %get3A_551 = tpu.vector_load %arg10[%get3A_549, %get3A_550] {strides = array<i32>} : memref<4x128xf32, #tpu.memory_space<vmem>>, vector<16xf32>,
    %sub3A_552 = arith.subf %get3A_547, %get3A_551 : vector<16xf32>
    %neg3A_553 = arith.constant 0.000000e+00 : f32
    %neg3A_554 = vector.broadcast %neg3A_553 : f32 to vector<16xf32>
    %neg3A_555 = arith.subf %neg3A_554, %sub3A_552 : vector<16xf32>
    %exp3A_556 = math.exp %neg3A_555 : vector<16xf32>
    %add3A_557 = arith.constant 1.000000e+00 : f32
    %add3A_558 = vector.broadcast %add3A_557 : f32 to vector<16xf32>
    %add3A_559 = arith.addf %add3A_558, %exp3A_556 : vector<16xf32>
    %div3A_560 = arith.constant 1.000000e+00 : f32
    %div3A_561 = vector.broadcast %div3A_560 : f32 to vector<16xf32>
    %div3A_562 = arith.divf %div3A_561, %add3A_559 : vector<16xf32>
    %swap3A_563 = arith.constant 2 : i32
    %swap3A_564 = arith.index_cast %swap3A_563 : i32 to index
    %swap3A_565 = arith.constant 16 : index
    %swap3A_566 = tpu.vector_load %arg11[%swap3A_564, %swap3A_565] {strides = array<i32>} : memref<4x128xf32, #tpu.memory_space<vmem>>, vector<16xf32>,
    tpu.vector_store %arg11[%swap3A_564, %swap3A_565], %div3A_562 {strides = array<i32>} : memref<4x128xf32, #tpu.memory_space<vmem>>, vector<16xf32>,
    %get3A_567 = arith.constant 2 : i32
    %get3A_568 = arith.index_cast %get3A_567 : i32 to index
    %get3A_569 = arith.constant 32 : index
    %get3A_570 = tpu.vector_load %arg9[%get3A_568, %get3A_569] {strides = array<i32>} : memref<4x128xf32, #tpu.memory_space<vmem>>, vector<16xf32>,
    %get3A_571 = arith.constant 2 : i32
    %get3A_572 = arith.index_cast %get3A_571 : i32 to index
    %get3A_573 = arith.constant 32 : index
    %get3A_574 = tpu.vector_load %arg10[%get3A_572, %get3A_573] {strides = array<i32>} : memref<4x128xf32, #tpu.memory_space<vmem>>, vector<16xf32>,
    %sub3A_575 = arith.subf %get3A_570, %get3A_574 : vector<16xf32>
    %neg3A_576 = arith.constant 0.000000e+00 : f32
    %neg3A_577 = vector.broadcast %neg3A_576 : f32 to vector<16xf32>
    %neg3A_578 = arith.subf %neg3A_577, %sub3A_575 : vector<16xf32>
    %exp3A_579 = math.exp %neg3A_578 : vector<16xf32>
    %add3A_580 = arith.constant 1.000000e+00 : f32
    %add3A_581 = vector.broadcast %add3A_580 : f32 to vector<16xf32>
    %add3A_582 = arith.addf %add3A_581, %exp3A_579 : vector<16xf32>
    %div3A_583 = arith.constant 1.000000e+00 : f32
    %div3A_584 = vector.broadcast %div3A_583 : f32 to vector<16xf32>
    %div3A_585 = arith.divf %div3A_584, %add3A_582 : vector<16xf32>
    %swap3A_586 = arith.constant 2 : i32
    %swap3A_587 = arith.index_cast %swap3A_586 : i32 to index
    %swap3A_588 = arith.constant 32 : index
    %swap3A_589 = tpu.vector_load %arg11[%swap3A_587, %swap3A_588] {strides = array<i32>} : memref<4x128xf32, #tpu.memory_space<vmem>>, vector<16xf32>,
    tpu.vector_store %arg11[%swap3A_587, %swap3A_588], %div3A_585 {strides = array<i32>} : memref<4x128xf32, #tpu.memory_space<vmem>>, vector<16xf32>,
    %get3A_590 = arith.constant 2 : i32
    %get3A_591 = arith.index_cast %get3A_590 : i32 to index
    %get3A_592 = arith.constant 48 : index
    %get3A_593 = tpu.vector_load %arg9[%get3A_591, %get3A_592] {strides = array<i32>} : memref<4x128xf32, #tpu.memory_space<vmem>>, vector<16xf32>,
    %get3A_594 = arith.constant 2 : i32
    %get3A_595 = arith.index_cast %get3A_594 : i32 to index
    %get3A_596 = arith.constant 48 : index
    %get3A_597 = tpu.vector_load %arg10[%get3A_595, %get3A_596] {strides = array<i32>} : memref<4x128xf32, #tpu.memory_space<vmem>>, vector<16xf32>,
    %sub3A_598 = arith.subf %get3A_593, %get3A_597 : vector<16xf32>
    %neg3A_599 = arith.constant 0.000000e+00 : f32
    %neg3A_600 = vector.broadcast %neg3A_599 : f32 to vector<16xf32>
    %neg3A_601 = arith.subf %neg3A_600, %sub3A_598 : vector<16xf32>
    %exp3A_602 = math.exp %neg3A_601 : vector<16xf32>
    %add3A_603 = arith.constant 1.000000e+00 : f32
    %add3A_604 = vector.broadcast %add3A_603 : f32 to vector<16xf32>
    %add3A_605 = arith.addf %add3A_604, %exp3A_602 : vector<16xf32>
    %div3A_606 = arith.constant 1.000000e+00 : f32
    %div3A_607 = vector.broadcast %div3A_606 : f32 to vector<16xf32>
    %div3A_608 = arith.divf %div3A_607, %add3A_605 : vector<16xf32>
    %swap3A_609 = arith.constant 2 : i32
    %swap3A_610 = arith.index_cast %swap3A_609 : i32 to index
    %swap3A_611 = arith.constant 48 : index
    %swap3A_612 = tpu.vector_load %arg11[%swap3A_610, %swap3A_611] {strides = array<i32>} : memref<4x128xf32, #tpu.memory_space<vmem>>, vector<16xf32>,
    tpu.vector_store %arg11[%swap3A_610, %swap3A_611], %div3A_608 {strides = array<i32>} : memref<4x128xf32, #tpu.memory_space<vmem>>, vector<16xf32>,
    %get3A_613 = arith.constant 2 : i32
    %get3A_614 = arith.index_cast %get3A_613 : i32 to index
    %get3A_615 = arith.constant 64 : index
    %get3A_616 = tpu.vector_load %arg9[%get3A_614, %get3A_615] {strides = array<i32>} : memref<4x128xf32, #tpu.memory_space<vmem>>, vector<16xf32>,
    %get3A_617 = arith.constant 2 : i32
    %get3A_618 = arith.index_cast %get3A_617 : i32 to index
    %get3A_619 = arith.constant 64 : index
    %get3A_620 = tpu.vector_load %arg10[%get3A_618, %get3A_619] {strides = array<i32>} : memref<4x128xf32, #tpu.memory_space<vmem>>, vector<16xf32>,
    %sub3A_621 = arith.subf %get3A_616, %get3A_620 : vector<16xf32>
    %neg3A_622 = arith.constant 0.000000e+00 : f32
    %neg3A_623 = vector.broadcast %neg3A_622 : f32 to vector<16xf32>
    %neg3A_624 = arith.subf %neg3A_623, %sub3A_621 : vector<16xf32>
    %exp3A_625 = math.exp %neg3A_624 : vector<16xf32>
    %add3A_626 = arith.constant 1.000000e+00 : f32
    %add3A_627 = vector.broadcast %add3A_626 : f32 to vector<16xf32>
    %add3A_628 = arith.addf %add3A_627, %exp3A_625 : vector<16xf32>
    %div3A_629 = arith.constant 1.000000e+00 : f32
    %div3A_630 = vector.broadcast %div3A_629 : f32 to vector<16xf32>
    %div3A_631 = arith.divf %div3A_630, %add3A_628 : vector<16xf32>
    %swap3A_632 = arith.constant 2 : i32
    %swap3A_633 = arith.index_cast %swap3A_632 : i32 to index
    %swap3A_634 = arith.constant 64 : index
    %swap3A_635 = tpu.vector_load %arg11[%swap3A_633, %swap3A_634] {strides = array<i32>} : memref<4x128xf32, #tpu.memory_space<vmem>>, vector<16xf32>,
    tpu.vector_store %arg11[%swap3A_633, %swap3A_634], %div3A_631 {strides = array<i32>} : memref<4x128xf32, #tpu.memory_space<vmem>>, vector<16xf32>,
    %get3A_636 = arith.constant 2 : i32
    %get3A_637 = arith.index_cast %get3A_636 : i32 to index
    %get3A_638 = arith.constant 80 : index
    %get3A_639 = tpu.vector_load %arg9[%get3A_637, %get3A_638] {strides = array<i32>} : memref<4x128xf32, #tpu.memory_space<vmem>>, vector<16xf32>,
    %get3A_640 = arith.constant 2 : i32
    %get3A_641 = arith.index_cast %get3A_640 : i32 to index
    %get3A_642 = arith.constant 80 : index
    %get3A_643 = tpu.vector_load %arg10[%get3A_641, %get3A_642] {strides = array<i32>} : memref<4x128xf32, #tpu.memory_space<vmem>>, vector<16xf32>,
    %sub3A_644 = arith.subf %get3A_639, %get3A_643 : vector<16xf32>
    %neg3A_645 = arith.constant 0.000000e+00 : f32
    %neg3A_646 = vector.broadcast %neg3A_645 : f32 to vector<16xf32>
    %neg3A_647 = arith.subf %neg3A_646, %sub3A_644 : vector<16xf32>
    %exp3A_648 = math.exp %neg3A_647 : vector<16xf32>
    %add3A_649 = arith.constant 1.000000e+00 : f32
    %add3A_650 = vector.broadcast %add3A_649 : f32 to vector<16xf32>
    %add3A_651 = arith.addf %add3A_650, %exp3A_648 : vector<16xf32>
    %div3A_652 = arith.constant 1.000000e+00 : f32
    %div3A_653 = vector.broadcast %div3A_652 : f32 to vector<16xf32>
    %div3A_654 = arith.divf %div3A_653, %add3A_651 : vector<16xf32>
    %swap3A_655 = arith.constant 2 : i32
    %swap3A_656 = arith.index_cast %swap3A_655 : i32 to index
    %swap3A_657 = arith.constant 80 : index
    %swap3A_658 = tpu.vector_load %arg11[%swap3A_656, %swap3A_657] {strides = array<i32>} : memref<4x128xf32, #tpu.memory_space<vmem>>, vector<16xf32>,
    tpu.vector_store %arg11[%swap3A_656, %swap3A_657], %div3A_654 {strides = array<i32>} : memref<4x128xf32, #tpu.memory_space<vmem>>, vector<16xf32>,
    %get3A_659 = arith.constant 2 : i32
    %get3A_660 = arith.index_cast %get3A_659 : i32 to index
    %get3A_661 = arith.constant 96 : index
    %get3A_662 = tpu.vector_load %arg9[%get3A_660, %get3A_661] {strides = array<i32>} : memref<4x128xf32, #tpu.memory_space<vmem>>, vector<16xf32>,
    %get3A_663 = arith.constant 2 : i32
    %get3A_664 = arith.index_cast %get3A_663 : i32 to index
    %get3A_665 = arith.constant 96 : index
    %get3A_666 = tpu.vector_load %arg10[%get3A_664, %get3A_665] {strides = array<i32>} : memref<4x128xf32, #tpu.memory_space<vmem>>, vector<16xf32>,
    %sub3A_667 = arith.subf %get3A_662, %get3A_666 : vector<16xf32>
    %neg3A_668 = arith.constant 0.000000e+00 : f32
    %neg3A_669 = vector.broadcast %neg3A_668 : f32 to vector<16xf32>
    %neg3A_670 = arith.subf %neg3A_669, %sub3A_667 : vector<16xf32>
    %exp3A_671 = math.exp %neg3A_670 : vector<16xf32>
    %add3A_672 = arith.constant 1.000000e+00 : f32
    %add3A_673 = vector.broadcast %add3A_672 : f32 to vector<16xf32>
    %add3A_674 = arith.addf %add3A_673, %exp3A_671 : vector<16xf32>
    %div3A_675 = arith.constant 1.000000e+00 : f32
    %div3A_676 = vector.broadcast %div3A_675 : f32 to vector<16xf32>
    %div3A_677 = arith.divf %div3A_676, %add3A_674 : vector<16xf32>
    %swap3A_678 = arith.constant 2 : i32
    %swap3A_679 = arith.index_cast %swap3A_678 : i32 to index
    %swap3A_680 = arith.constant 96 : index
    %swap3A_681 = tpu.vector_load %arg11[%swap3A_679, %swap3A_680] {strides = array<i32>} : memref<4x128xf32, #tpu.memory_space<vmem>>, vector<16xf32>,
    tpu.vector_store %arg11[%swap3A_679, %swap3A_680], %div3A_677 {strides = array<i32>} : memref<4x128xf32, #tpu.memory_space<vmem>>, vector<16xf32>,
    %get3A_682 = arith.constant 2 : i32
    %get3A_683 = arith.index_cast %get3A_682 : i32 to index
    %get3A_684 = arith.constant 112 : index
    %get3A_685 = tpu.vector_load %arg9[%get3A_683, %get3A_684] {strides = array<i32>} : memref<4x128xf32, #tpu.memory_space<vmem>>, vector<16xf32>,
    %get3A_686 = arith.constant 2 : i32
    %get3A_687 = arith.index_cast %get3A_686 : i32 to index
    %get3A_688 = arith.constant 112 : index
    %get3A_689 = tpu.vector_load %arg10[%get3A_687, %get3A_688] {strides = array<i32>} : memref<4x128xf32, #tpu.memory_space<vmem>>, vector<16xf32>,
    %sub3A_690 = arith.subf %get3A_685, %get3A_689 : vector<16xf32>
    %neg3A_691 = arith.constant 0.000000e+00 : f32
    %neg3A_692 = vector.broadcast %neg3A_691 : f32 to vector<16xf32>
    %neg3A_693 = arith.subf %neg3A_692, %sub3A_690 : vector<16xf32>
    %exp3A_694 = math.exp %neg3A_693 : vector<16xf32>
    %add3A_695 = arith.constant 1.000000e+00 : f32
    %add3A_696 = vector.broadcast %add3A_695 : f32 to vector<16xf32>
    %add3A_697 = arith.addf %add3A_696, %exp3A_694 : vector<16xf32>
    %div3A_698 = arith.constant 1.000000e+00 : f32
    %div3A_699 = vector.broadcast %div3A_698 : f32 to vector<16xf32>
    %div3A_700 = arith.divf %div3A_699, %add3A_697 : vector<16xf32>
    %swap3A_701 = arith.constant 2 : i32
    %swap3A_702 = arith.index_cast %swap3A_701 : i32 to index
    %swap3A_703 = arith.constant 112 : index
    %swap3A_704 = tpu.vector_load %arg11[%swap3A_702, %swap3A_703] {strides = array<i32>} : memref<4x128xf32, #tpu.memory_space<vmem>>, vector<16xf32>,
    tpu.vector_store %arg11[%swap3A_702, %swap3A_703], %div3A_700 {strides = array<i32>} : memref<4x128xf32, #tpu.memory_space<vmem>>, vector<16xf32>,
    %get3A_705 = arith.constant 3 : i32
    %get3A_706 = arith.index_cast %get3A_705 : i32 to index
    %get3A_707 = arith.constant 0 : index
    %get3A_708 = tpu.vector_load %arg9[%get3A_706, %get3A_707] {strides = array<i32>} : memref<4x128xf32, #tpu.memory_space<vmem>>, vector<16xf32>,
    %get3A_709 = arith.constant 3 : i32
    %get3A_710 = arith.index_cast %get3A_709 : i32 to index
    %get3A_711 = arith.constant 0 : index
    %get3A_712 = tpu.vector_load %arg10[%get3A_710, %get3A_711] {strides = array<i32>} : memref<4x128xf32, #tpu.memory_space<vmem>>, vector<16xf32>,
    %sub3A_713 = arith.subf %get3A_708, %get3A_712 : vector<16xf32>
    %neg3A_714 = arith.constant 0.000000e+00 : f32
    %neg3A_715 = vector.broadcast %neg3A_714 : f32 to vector<16xf32>
    %neg3A_716 = arith.subf %neg3A_715, %sub3A_713 : vector<16xf32>
    %exp3A_717 = math.exp %neg3A_716 : vector<16xf32>
    %add3A_718 = arith.constant 1.000000e+00 : f32
    %add3A_719 = vector.broadcast %add3A_718 : f32 to vector<16xf32>
    %add3A_720 = arith.addf %add3A_719, %exp3A_717 : vector<16xf32>
    %div3A_721 = arith.constant 1.000000e+00 : f32
    %div3A_722 = vector.broadcast %div3A_721 : f32 to vector<16xf32>
    %div3A_723 = arith.divf %div3A_722, %add3A_720 : vector<16xf32>
    %swap3A_724 = arith.constant 3 : i32
    %swap3A_725 = arith.index_cast %swap3A_724 : i32 to index
    %swap3A_726 = arith.constant 0 : index
    %swap3A_727 = tpu.vector_load %arg11[%swap3A_725, %swap3A_726] {strides = array<i32>} : memref<4x128xf32, #tpu.memory_space<vmem>>, vector<16xf32>,
    tpu.vector_store %arg11[%swap3A_725, %swap3A_726], %div3A_723 {strides = array<i32>} : memref<4x128xf32, #tpu.memory_space<vmem>>, vector<16xf32>,
    %get3A_728 = arith.constant 3 : i32
    %get3A_729 = arith.index_cast %get3A_728 : i32 to index
    %get3A_730 = arith.constant 16 : index
    %get3A_731 = tpu.vector_load %arg9[%get3A_729, %get3A_730] {strides = array<i32>} : memref<4x128xf32, #tpu.memory_space<vmem>>, vector<16xf32>,
    %get3A_732 = arith.constant 3 : i32
    %get3A_733 = arith.index_cast %get3A_732 : i32 to index
    %get3A_734 = arith.constant 16 : index
    %get3A_735 = tpu.vector_load %arg10[%get3A_733, %get3A_734] {strides = array<i32>} : memref<4x128xf32, #tpu.memory_space<vmem>>, vector<16xf32>,
    %sub3A_736 = arith.subf %get3A_731, %get3A_735 : vector<16xf32>
    %neg3A_737 = arith.constant 0.000000e+00 : f32
    %neg3A_738 = vector.broadcast %neg3A_737 : f32 to vector<16xf32>
    %neg3A_739 = arith.subf %neg3A_738, %sub3A_736 : vector<16xf32>
    %exp3A_740 = math.exp %neg3A_739 : vector<16xf32>
    %add3A_741 = arith.constant 1.000000e+00 : f32
    %add3A_742 = vector.broadcast %add3A_741 : f32 to vector<16xf32>
    %add3A_743 = arith.addf %add3A_742, %exp3A_740 : vector<16xf32>
    %div3A_744 = arith.constant 1.000000e+00 : f32
    %div3A_745 = vector.broadcast %div3A_744 : f32 to vector<16xf32>
    %div3A_746 = arith.divf %div3A_745, %add3A_743 : vector<16xf32>
    %swap3A_747 = arith.constant 3 : i32
    %swap3A_748 = arith.index_cast %swap3A_747 : i32 to index
    %swap3A_749 = arith.constant 16 : index
    %swap3A_750 = tpu.vector_load %arg11[%swap3A_748, %swap3A_749] {strides = array<i32>} : memref<4x128xf32, #tpu.memory_space<vmem>>, vector<16xf32>,
    tpu.vector_store %arg11[%swap3A_748, %swap3A_749], %div3A_746 {strides = array<i32>} : memref<4x128xf32, #tpu.memory_space<vmem>>, vector<16xf32>,
    %get3A_751 = arith.constant 3 : i32
    %get3A_752 = arith.index_cast %get3A_751 : i32 to index
    %get3A_753 = arith.constant 32 : index
    %get3A_754 = tpu.vector_load %arg9[%get3A_752, %get3A_753] {strides = array<i32>} : memref<4x128xf32, #tpu.memory_space<vmem>>, vector<16xf32>,
    %get3A_755 = arith.constant 3 : i32
    %get3A_756 = arith.index_cast %get3A_755 : i32 to index
    %get3A_757 = arith.constant 32 : index
    %get3A_758 = tpu.vector_load %arg10[%get3A_756, %get3A_757] {strides = array<i32>} : memref<4x128xf32, #tpu.memory_space<vmem>>, vector<16xf32>,
    %sub3A_759 = arith.subf %get3A_754, %get3A_758 : vector<16xf32>
    %neg3A_760 = arith.constant 0.000000e+00 : f32
    %neg3A_761 = vector.broadcast %neg3A_760 : f32 to vector<16xf32>
    %neg3A_762 = arith.subf %neg3A_761, %sub3A_759 : vector<16xf32>
    %exp3A_763 = math.exp %neg3A_762 : vector<16xf32>
    %add3A_764 = arith.constant 1.000000e+00 : f32
    %add3A_765 = vector.broadcast %add3A_764 : f32 to vector<16xf32>
    %add3A_766 = arith.addf %add3A_765, %exp3A_763 : vector<16xf32>
    %div3A_767 = arith.constant 1.000000e+00 : f32
    %div3A_768 = vector.broadcast %div3A_767 : f32 to vector<16xf32>
    %div3A_769 = arith.divf %div3A_768, %add3A_766 : vector<16xf32>
    %swap3A_770 = arith.constant 3 : i32
    %swap3A_771 = arith.index_cast %swap3A_770 : i32 to index
    %swap3A_772 = arith.constant 32 : index
    %swap3A_773 = tpu.vector_load %arg11[%swap3A_771, %swap3A_772] {strides = array<i32>} : memref<4x128xf32, #tpu.memory_space<vmem>>, vector<16xf32>,
    tpu.vector_store %arg11[%swap3A_771, %swap3A_772], %div3A_769 {strides = array<i32>} : memref<4x128xf32, #tpu.memory_space<vmem>>, vector<16xf32>,
    %get3A_774 = arith.constant 3 : i32
    %get3A_775 = arith.index_cast %get3A_774 : i32 to index
    %get3A_776 = arith.constant 48 : index
    %get3A_777 = tpu.vector_load %arg9[%get3A_775, %get3A_776] {strides = array<i32>} : memref<4x128xf32, #tpu.memory_space<vmem>>, vector<16xf32>,
    %get3A_778 = arith.constant 3 : i32
    %get3A_779 = arith.index_cast %get3A_778 : i32 to index
    %get3A_780 = arith.constant 48 : index
    %get3A_781 = tpu.vector_load %arg10[%get3A_779, %get3A_780] {strides = array<i32>} : memref<4x128xf32, #tpu.memory_space<vmem>>, vector<16xf32>,
    %sub3A_782 = arith.subf %get3A_777, %get3A_781 : vector<16xf32>
    %neg3A_783 = arith.constant 0.000000e+00 : f32
    %neg3A_784 = vector.broadcast %neg3A_783 : f32 to vector<16xf32>
    %neg3A_785 = arith.subf %neg3A_784, %sub3A_782 : vector<16xf32>
    %exp3A_786 = math.exp %neg3A_785 : vector<16xf32>
    %add3A_787 = arith.constant 1.000000e+00 : f32
    %add3A_788 = vector.broadcast %add3A_787 : f32 to vector<16xf32>
    %add3A_789 = arith.addf %add3A_788, %exp3A_786 : vector<16xf32>
    %div3A_790 = arith.constant 1.000000e+00 : f32
    %div3A_791 = vector.broadcast %div3A_790 : f32 to vector<16xf32>
    %div3A_792 = arith.divf %div3A_791, %add3A_789 : vector<16xf32>
    %swap3A_793 = arith.constant 3 : i32
    %swap3A_794 = arith.index_cast %swap3A_793 : i32 to index
    %swap3A_795 = arith.constant 48 : index
    %swap3A_796 = tpu.vector_load %arg11[%swap3A_794, %swap3A_795] {strides = array<i32>} : memref<4x128xf32, #tpu.memory_space<vmem>>, vector<16xf32>,
    tpu.vector_store %arg11[%swap3A_794, %swap3A_795], %div3A_792 {strides = array<i32>} : memref<4x128xf32, #tpu.memory_space<vmem>>, vector<16xf32>,
    %get3A_797 = arith.constant 3 : i32
    %get3A_798 = arith.index_cast %get3A_797 : i32 to index
    %get3A_799 = arith.constant 64 : index
    %get3A_800 = tpu.vector_load %arg9[%get3A_798, %get3A_799] {strides = array<i32>} : memref<4x128xf32, #tpu.memory_space<vmem>>, vector<16xf32>,
    %get3A_801 = arith.constant 3 : i32
    %get3A_802 = arith.index_cast %get3A_801 : i32 to index
    %get3A_803 = arith.constant 64 : index
    %get3A_804 = tpu.vector_load %arg10[%get3A_802, %get3A_803] {strides = array<i32>} : memref<4x128xf32, #tpu.memory_space<vmem>>, vector<16xf32>,
    %sub3A_805 = arith.subf %get3A_800, %get3A_804 : vector<16xf32>
    %neg3A_806 = arith.constant 0.000000e+00 : f32
    %neg3A_807 = vector.broadcast %neg3A_806 : f32 to vector<16xf32>
    %neg3A_808 = arith.subf %neg3A_807, %sub3A_805 : vector<16xf32>
    %exp3A_809 = math.exp %neg3A_808 : vector<16xf32>
    %add3A_810 = arith.constant 1.000000e+00 : f32
    %add3A_811 = vector.broadcast %add3A_810 : f32 to vector<16xf32>
    %add3A_812 = arith.addf %add3A_811, %exp3A_809 : vector<16xf32>
    %div3A_813 = arith.constant 1.000000e+00 : f32
    %div3A_814 = vector.broadcast %div3A_813 : f32 to vector<16xf32>
    %div3A_815 = arith.divf %div3A_814, %add3A_812 : vector<16xf32>
    %swap3A_816 = arith.constant 3 : i32
    %swap3A_817 = arith.index_cast %swap3A_816 : i32 to index
    %swap3A_818 = arith.constant 64 : index
    %swap3A_819 = tpu.vector_load %arg11[%swap3A_817, %swap3A_818] {strides = array<i32>} : memref<4x128xf32, #tpu.memory_space<vmem>>, vector<16xf32>,
    tpu.vector_store %arg11[%swap3A_817, %swap3A_818], %div3A_815 {strides = array<i32>} : memref<4x128xf32, #tpu.memory_space<vmem>>, vector<16xf32>,
    %get3A_820 = arith.constant 3 : i32
    %get3A_821 = arith.index_cast %get3A_820 : i32 to index
    %get3A_822 = arith.constant 80 : index
    %get3A_823 = tpu.vector_load %arg9[%get3A_821, %get3A_822] {strides = array<i32>} : memref<4x128xf32, #tpu.memory_space<vmem>>, vector<16xf32>,
    %get3A_824 = arith.constant 3 : i32
    %get3A_825 = arith.index_cast %get3A_824 : i32 to index
    %get3A_826 = arith.constant 80 : index
    %get3A_827 = tpu.vector_load %arg10[%get3A_825, %get3A_826] {strides = array<i32>} : memref<4x128xf32, #tpu.memory_space<vmem>>, vector<16xf32>,
    %sub3A_828 = arith.subf %get3A_823, %get3A_827 : vector<16xf32>
    %neg3A_829 = arith.constant 0.000000e+00 : f32
    %neg3A_830 = vector.broadcast %neg3A_829 : f32 to vector<16xf32>
    %neg3A_831 = arith.subf %neg3A_830, %sub3A_828 : vector<16xf32>
    %exp3A_832 = math.exp %neg3A_831 : vector<16xf32>
    %add3A_833 = arith.constant 1.000000e+00 : f32
    %add3A_834 = vector.broadcast %add3A_833 : f32 to vector<16xf32>
    %add3A_835 = arith.addf %add3A_834, %exp3A_832 : vector<16xf32>
    %div3A_836 = arith.constant 1.000000e+00 : f32
    %div3A_837 = vector.broadcast %div3A_836 : f32 to vector<16xf32>
    %div3A_838 = arith.divf %div3A_837, %add3A_835 : vector<16xf32>
    %swap3A_839 = arith.constant 3 : i32
    %swap3A_840 = arith.index_cast %swap3A_839 : i32 to index
    %swap3A_841 = arith.constant 80 : index
    %swap3A_842 = tpu.vector_load %arg11[%swap3A_840, %swap3A_841] {strides = array<i32>} : memref<4x128xf32, #tpu.memory_space<vmem>>, vector<16xf32>,
    tpu.vector_store %arg11[%swap3A_840, %swap3A_841], %div3A_838 {strides = array<i32>} : memref<4x128xf32, #tpu.memory_space<vmem>>, vector<16xf32>,
    %get3A_843 = arith.constant 3 : i32
    %get3A_844 = arith.index_cast %get3A_843 : i32 to index
    %get3A_845 = arith.constant 96 : index
    %get3A_846 = tpu.vector_load %arg9[%get3A_844, %get3A_845] {strides = array<i32>} : memref<4x128xf32, #tpu.memory_space<vmem>>, vector<16xf32>,
    %get3A_847 = arith.constant 3 : i32
    %get3A_848 = arith.index_cast %get3A_847 : i32 to index
    %get3A_849 = arith.constant 96 : index
    %get3A_850 = tpu.vector_load %arg10[%get3A_848, %get3A_849] {strides = array<i32>} : memref<4x128xf32, #tpu.memory_space<vmem>>, vector<16xf32>,
    %sub3A_851 = arith.subf %get3A_846, %get3A_850 : vector<16xf32>
    %neg3A_852 = arith.constant 0.000000e+00 : f32
    %neg3A_853 = vector.broadcast %neg3A_852 : f32 to vector<16xf32>
    %neg3A_854 = arith.subf %neg3A_853, %sub3A_851 : vector<16xf32>
    %exp3A_855 = math.exp %neg3A_854 : vector<16xf32>
    %add3A_856 = arith.constant 1.000000e+00 : f32
    %add3A_857 = vector.broadcast %add3A_856 : f32 to vector<16xf32>
    %add3A_858 = arith.addf %add3A_857, %exp3A_855 : vector<16xf32>
    %div3A_859 = arith.constant 1.000000e+00 : f32
    %div3A_860 = vector.broadcast %div3A_859 : f32 to vector<16xf32>
    %div3A_861 = arith.divf %div3A_860, %add3A_858 : vector<16xf32>
    %swap3A_862 = arith.constant 3 : i32
    %swap3A_863 = arith.index_cast %swap3A_862 : i32 to index
    %swap3A_864 = arith.constant 96 : index
    %swap3A_865 = tpu.vector_load %arg11[%swap3A_863, %swap3A_864] {strides = array<i32>} : memref<4x128xf32, #tpu.memory_space<vmem>>, vector<16xf32>,
    tpu.vector_store %arg11[%swap3A_863, %swap3A_864], %div3A_861 {strides = array<i32>} : memref<4x128xf32, #tpu.memory_space<vmem>>, vector<16xf32>,
    %get3A_866 = arith.constant 3 : i32
    %get3A_867 = arith.index_cast %get3A_866 : i32 to index
    %get3A_868 = arith.constant 112 : index
    %get3A_869 = tpu.vector_load %arg9[%get3A_867, %get3A_868] {strides = array<i32>} : memref<4x128xf32, #tpu.memory_space<vmem>>, vector<16xf32>,
    %get3A_870 = arith.constant 3 : i32
    %get3A_871 = arith.index_cast %get3A_870 : i32 to index
    %get3A_872 = arith.constant 112 : index
    %get3A_873 = tpu.vector_load %arg10[%get3A_871, %get3A_872] {strides = array<i32>} : memref<4x128xf32, #tpu.memory_space<vmem>>, vector<16xf32>,
    %sub3A_874 = arith.subf %get3A_869, %get3A_873 : vector<16xf32>
    %neg3A_875 = arith.constant 0.000000e+00 : f32
    %neg3A_876 = vector.broadcast %neg3A_875 : f32 to vector<16xf32>
    %neg3A_877 = arith.subf %neg3A_876, %sub3A_874 : vector<16xf32>
    %exp3A_878 = math.exp %neg3A_877 : vector<16xf32>
    %add3A_879 = arith.constant 1.000000e+00 : f32
    %add3A_880 = vector.broadcast %add3A_879 : f32 to vector<16xf32>
    %add3A_881 = arith.addf %add3A_880, %exp3A_878 : vector<16xf32>
    %div3A_882 = arith.constant 1.000000e+00 : f32
    %div3A_883 = vector.broadcast %div3A_882 : f32 to vector<16xf32>
    %div3A_884 = arith.divf %div3A_883, %add3A_881 : vector<16xf32>
    %swap3A_885 = arith.constant 3 : i32
    %swap3A_886 = arith.index_cast %swap3A_885 : i32 to index
    %swap3A_887 = arith.constant 112 : index
    %swap3A_888 = tpu.vector_load %arg11[%swap3A_886, %swap3A_887] {strides = array<i32>} : memref<4x128xf32, #tpu.memory_space<vmem>>, vector<16xf32>,
    tpu.vector_store %arg11[%swap3A_886, %swap3A_887], %div3A_884 {strides = array<i32>} : memref<4x128xf32, #tpu.memory_space<vmem>>, vector<16xf32>,
    "tpu.region"() ({
      %run_scoped3A = tpu.sem_alloc : memref<!tpu.dma_semaphore, #tpu.memory_space<semaphore_mem>>
      %dma_start3A_889 = arith.constant 0 : i32
      %dma_start3A_890 = arith.constant 0 : i32
      %dma_start3A_891 = tpu.memref_slice %arg6[%add3A, %dma_start3A_889, %dma_start3A_890] : memref<32x4x128xf32, #tpu.memory_space<hbm>> -> memref<1x4x128xf32, #tpu.memory_space<hbm>>
      %dma_start3A_892 = tpu.memref_squeeze %dma_start3A_891 : memref<1x4x128xf32, #tpu.memory_space<hbm>> -> memref<4x128xf32, #tpu.memory_space<hbm>>
      %dma_start3A_893 = arith.constant 0 : i32
      %dma_start3A_894 = arith.constant 0 : i32
      %dma_start3A_895 = tpu.memref_slice %arg6[%add3A, %dma_start3A_893, %dma_start3A_894] : memref<32x4x128xf32, #tpu.memory_space<hbm>> -> memref<1x4x128xf32, #tpu.memory_space<hbm>>
      %dma_start3A_896 = tpu.memref_squeeze %dma_start3A_895 : memref<1x4x128xf32, #tpu.memory_space<hbm>> -> memref<4x128xf32, #tpu.memory_space<hbm>>
      tpu.enqueue_dma source(%arg11 : memref<4x128xf32, #tpu.memory_space<vmem>>) target(%dma_start3A_896 : memref<4x128xf32, #tpu.memory_space<hbm>>) target_semaphore(%run_scoped3A : memref<!tpu.dma_semaphore, #tpu.memory_space<semaphore_mem>>)
      %dma_wait3A_897 = arith.constant 0 : i32
      %dma_wait3A_898 = arith.constant 0 : i32
      %dma_wait3A_899 = tpu.memref_slice %arg6[%add3A, %dma_wait3A_897, %dma_wait3A_898] : memref<32x4x128xf32, #tpu.memory_space<hbm>> -> memref<1x4x128xf32, #tpu.memory_space<hbm>>
      %dma_wait3A_900 = tpu.memref_squeeze %dma_wait3A_899 : memref<1x4x128xf32, #tpu.memory_space<hbm>> -> memref<4x128xf32, #tpu.memory_space<hbm>>
      %dma_wait3A_901 = arith.constant 0 : i32
      %dma_wait3A_902 = arith.constant 0 : i32
      %dma_wait3A_903 = tpu.memref_slice %arg6[%add3A, %dma_wait3A_901, %dma_wait3A_902] : memref<32x4x128xf32, #tpu.memory_space<hbm>> -> memref<1x4x128xf32, #tpu.memory_space<hbm>>
      %dma_wait3A_904 = tpu.memref_squeeze %dma_wait3A_903 : memref<1x4x128xf32, #tpu.memory_space<hbm>> -> memref<4x128xf32, #tpu.memory_space<hbm>>
      tpu.wait_dma2 semaphore(%run_scoped3A : memref<!tpu.dma_semaphore, #tpu.memory_space<semaphore_mem>>) src(%arg11 : memref<4x128xf32, #tpu.memory_space<vmem>>) dst(%dma_wait3A_904 : memref<4x128xf32, #tpu.memory_space<hbm>>)
      tpu.yield
    }) : () -> ()
    return
  }
}

module attributes {stable_mosaic.version = 14 : i64} {
  func.func @_colsum_body(%arg0: i32, %arg1: memref<16x131072xf32, #tpu.memory_space<vmem>>, %arg2: memref<131072xf32, #tpu.memory_space<vmem>>) attributes {dimension_semantics = [#tpu.dimension_semantics<arbitrary>], iteration_bounds = array<i64: 8>, scalar_prefetch = 0 : i64, scratch_operands = 0 : i64, tpu.core_type = #tpu.core_type<tc>, window_params = [{transform_indices = @transform_0, window_bounds = array<i64: 16, 131072>}, {transform_indices = @transform_1, window_bounds = array<i64: 131072>}]} {
    %get3A = arith.constant 0 : index
    %get3A_0 = arith.constant 0 : index
    %get3A_1 = vector.load %arg1[%get3A, %get3A_0] : memref<16x131072xf32, #tpu.memory_space<vmem>>, vector<16x131072xf32>
    %reduce_sum3A = arith.constant dense<0.000000e+00> : vector<131072xf32>
    %reduce_sum3A_2 = vector.multi_reduction <add>, %get3A_1, %reduce_sum3A [0] : vector<16x131072xf32> to vector<131072xf32>
    %swap3A = arith.constant 0 : index
    %swap3A_3 = vector.load %arg2[%swap3A] : memref<131072xf32, #tpu.memory_space<vmem>>, vector<131072xf32>
    tpu.vector_store %arg2[%swap3A], %reduce_sum3A_2 {strides = array<i32>} : memref<131072xf32, #tpu.memory_space<vmem>>, vector<131072xf32>,
    return
  }
  func.func @transform_0(%arg0: i32) -> (i32, i32) {
    %c0_i32 = arith.constant 0 : i32
    %c0_i32_0 = arith.constant 0 : i32
    return %c0_i32, %arg0 : i32, i32
  }
  func.func @transform_1(%arg0: i32) -> i32 {
    %c0_i32 = arith.constant 0 : i32
    return %arg0 : i32
  }
}

</mosaic_0001>

<sc_bundles>
// kernel: kernel.4.cloned.1.call-start
scs
__scs_entry_jumppad:
0x0: {  	(pc) =	sbr.rel $0x88, $3  }
0x1: {  	(tag) =	ssettag $0x0;
	lr =	simm.s32 $0x1  }
0x2: {  	[smem:$0x3F9D] =	sst lr;
	_ =	strace $0xD0000000  }
0x3: {  	_ = 	snop  }
0x4: {  	_ = 	snop  }
0x5: {  	_ = 	snop  }
0x6: {  	_ = 	snop  }
0x7: {  	_ = 	snop  }
__scs_overlays_trampoline_lowered:
0x8: {  	[smem:$0x3FAC] =	sst s0  }
0x9: {  	[smem:$0x3FAD] =	sst s1  }
0xa: {  	[smem:$0x3FAE] =	sst s2  }
0xb: {  	[smem:$0x3FAF] =	sst s3  }
0xc: {  	[smem:$0x3FB0] =	sst s4  }
0xd: {  	[smem:$0x3FB1] =	sst s5  }
0xe: {  	[smem:$0x3FB2] =	sst s6  }
0xf: {  	[smem:$0x3FB3] =	sst s7  }
0x10: {  	[smem:$0x3FB4] =	sst s8  }
0x11: {  	[smem:$0x3FB5] =	sst s9;
	s0 =	simm.s32 @!p0 $0x0  }
0x12: {  	s1 =	sld [smem:$0x3F9B];
	s0 =	simm.s32 @p0 $0x1  }
0x13: {  	[smem:$0x3FB6] =	sst s0;
	s0 =	simm.s32 @!p1 $0x0  }
0x14: {  	s2 =	sld [smem:$0x3F9A];
	s0 =	simm.s32 @p1 $0x1  }
0x15: {  	[smem:$0x3FB7] =	sst s0;
	s0 =	simm.s32 @!p2 $0x0  }
0x16: {  	s3 =	sld [smem:$0x3FDB];
	s0 =	simm.s32 @p2 $0x1  }
0x17: {  	s4 =	simm.s32 $0x1BF5;
	[smem:$0x3FB9] =	sst s0  }
0x18: {  	s0 =	sld [smem:$0x3F9C];
	_ =	swait.ge [sflag:s4], $0x0  }
0x19: {  	s7 =	sld [smem:$0x3F9D]  }
0x1a: {  	s8 =	sadd.s32 $0xFFFFE003, lr  }
0x1b: {  	s9 =	sadd.s32 $0xFFFFFEF7, lr;
	s5 =	simm.s32 $0xFFFFFFFF;
	p2 =	slt.u32 s8, $0xFFFFF086  }
0x1c: {  	p1 =	slt.u32 s9, $0xF7A;
	s5 =	simm.s32 @!p2 $0x0  }
0x1d: {  	s5 =	simm.s32 @p1 $0x1;
	p0 =	seq.s32 s7, s2  }
0x1e: {  	s7 =	smul.u32 @!p0 $0xF7A, s2;
	p2 =	seq.s32 @!p0 s5, $0x0  }
0x1f: {  	s9 =	smul.u32 $0xF7A, s1;
	s8 =	simm.s32 @!p0 $0x1BF5;
	p2 =	por !p2, p0  }
0x20: {  	[sflag:s8] =	ssyncset.s32 @!p0 $0xFFFFF086;
	s6 =	sadd.s32 @!p0 s3, s7;
	s7 =	simm.s32 @!p0 $0x108  }
0x21: {  	s3 =	sadd.s32 s3, s9;
	s6 =	sadd.s32 @!p0 $0x88, s6;
	s7 =	simm.s32 @p2 $0x1082  }
0x22: {  	[simem:s7], [sflag:s8] =	dma.local @!p0 [hbm:s6], $0xF7A  }
0x23: {  	s9 =	sor.u32 $0xD0000000, s2;
	s6 =	simm.s32 $0x108;
	_ =	swait.ge @!p0 [sflag:s8], $0x0  }
0x24: {  	s3 =	sadd.s32 $0x88, s3;
	s6 =	simm.s32 @!p1 $0x1082;
	[sflag:s4] =	ssyncset.s32 $0xFFFFF086  }
0x25: {  	[simem:s6], [sflag:s4] =	dma.local [hbm:s3], $0xF7A  }
0x26: {  	[smem:$0x3F9D] =	sst s1;
	(tag) =	ssettag s2;
	_ =	strace s9  }
0x27: {  	s1 =	sld [smem:$0x3FAD]  }
0x28: {  	s2 =	sld [smem:$0x3FAE]  }
0x29: {  	s4 =	sld [smem:$0x3FB0]  }
0x2a: {  	p0 =	seq.s32 s5, $0x0;
	s5 =	sld [smem:$0x3FB1]  }
0x2b: {  	s6 =	sld [smem:$0x3FB2]  }
0x2c: {  	s7 =	sld [smem:$0x3FB3]  }
0x2d: {  	s3 =	simm.s32 $0x108;
	s8 =	sld [smem:$0x3FB4]  }
0x2e: {  	s3 =	simm.s32 @!p0 $0x1082;
	s9 =	sld [smem:$0x3FB5]  }
0x2f: {  	lr =	sadd.s32 s0, s3;
	s0 =	sld [smem:$0x3FAC]  }
0x30: {  	s3 =	sld [smem:$0x3FAF]  }
0x31: {  	[smem:$0x3FB8] =	sst s10  }
0x32: {  	s10 =	sld [smem:$0x3FB6];
	_ =	sdelay $0x3  }
0x33: {  	p0 =	seq.s32 s10, $0x1;
	s10 =	sld [smem:$0x3FB8];
	_ =	sdelay $0x3  }
0x34: {  	[smem:$0x3FB8] =	sst s10  }
0x35: {  	s10 =	sld [smem:$0x3FB7];
	_ =	sdelay $0x3  }
0x36: {  	p1 =	seq.s32 s10, $0x1;
	s10 =	sld [smem:$0x3FB8];
	_ =	sdelay $0x3  }
0x37: {  	[smem:$0x3FB8] =	sst s10  }
0x38: {  	s10 =	sld [smem:$0x3FB9]  }
0x39: {  	_ = 	snop;
	(pc) =	sbr.ind lr, $3  }
0x3a: {  	_ = 	snop  }
0x3b: {  	_ = 	snop  }
0x3c: {  	p2 =	seq.s32 s10, $0x1;
	s10 =	sld [smem:$0x3FB8]  }
0x3d: {  	_ =	shalt  }
0x3e: {  	_ =	shalt  }
0x3f: {  	_ =	shalt  }
0x40: {  	_ =	shalt  }
0x41: {  	_ =	shalt  }
0x42: {  	_ =	shalt  }
0x43: {  	_ =	shalt  }
0x44: {  	_ =	shalt  }
0x45: {  	_ =	shalt  }
0x46: {  	_ =	shalt  }
0x47: {  	_ =	shalt  }
0x48: {  	_ =	shalt  }
0x49: {  	_ =	shalt  }
0x4a: {  	_ =	shalt  }
0x4b: {  	_ =	shalt  }
0x4c: {  	_ =	shalt  }
0x4d: {  	_ =	shalt  }
0x4e: {  	_ =	shalt  }
0x4f: {  	_ =	shalt  }
0x50: {  	_ =	shalt  }
0x51: {  	_ =	shalt  }
0x52: {  	_ =	shalt  }
0x53: {  	_ =	shalt  }
0x54: {  	_ =	shalt  }
0x55: {  	_ =	shalt  }
0x56: {  	_ =	shalt  }
0x57: {  	_ =	shalt  }
0x58: {  	_ =	shalt  }
0x59: {  	_ =	shalt  }
0x5a: {  	_ =	shalt  }
0x5b: {  	_ =	shalt  }
0x5c: {  	_ =	shalt  }
0x5d: {  	_ =	shalt  }
0x5e: {  	_ =	shalt  }
0x5f: {  	_ =	shalt  }
0x60: {  	_ =	shalt  }
0x61: {  	_ =	shalt  }
0x62: {  	_ =	shalt  }
0x63: {  	_ =	shalt  }
0x64: {  	_ =	shalt  }
0x65: {  	_ =	shalt  }
0x66: {  	_ =	shalt  }
0x67: {  	_ =	shalt  }
0x68: {  	_ =	shalt  }
0x69: {  	_ =	shalt  }
0x6a: {  	_ =	shalt  }
0x6b: {  	_ =	shalt  }
0x6c: {  	_ =	shalt  }
0x6d: {  	_ =	shalt  }
0x6e: {  	_ =	shalt  }
0x6f: {  	_ =	shalt  }
0x70: {  	_ =	shalt  }
0x71: {  	_ =	shalt  }
0x72: {  	_ =	shalt  }
0x73: {  	_ =	shalt  }
0x74: {  	_ =	shalt  }
0x75: {  	_ =	shalt  }
0x76: {  	_ =	shalt  }
0x77: {  	_ =	shalt  }
0x78: {  	_ =	shalt  }
0x79: {  	_ =	shalt  }
0x7a: {  	_ =	shalt  }
0x7b: {  	_ =	shalt  }
0x7c: {  	_ =	shalt  }
0x7d: {  	_ =	shalt  }
0x7e: {  	_ =	shalt  }
0x7f: {  	_ =	shalt  }
0x80: {  	_ =	shalt  }
0x81: {  	_ =	shalt  }
0x82: {  	_ =	shalt  }
0x83: {  	_ =	shalt  }
0x84: {  	_ =	shalt  }
0x85: {  	_ =	shalt  }
0x86: {  	_ =	shalt  }
0x87: {  	_ =	shalt  }
.Lfunc_end0:
.L_simem_size_0:
called_computation_lowered:
.L_overlay_start_0:
0x88: {  	s2 =	sld [smem:$0x3FD9]  }
0x89: {  	s3 =	sld [smem:$0x3FFE];
	_ =	sdelay $0x1  }
0x8a: {  	s1 =	srdreg.scid  }
0x8b: {  	s0 =	sand.u32 $0x1, s1  }
0x8c: {  	s17 =	sshll.u32 s0, $0xA;
	s2 =	sadd.s32 s3, s2  }
0x8d: {  	s2 =	sadd.s32 s2, s17  }
0x8e: {  	[smem:$0x3FC4] =	sst s2  }
0x8f: {  	_ = 	snop  }
0x90: {  	s2 =	sld [smem:$0x3FC9]  }
0x91: {  	s18 =	sld [smem:$0x3FC8]  }
0x92: {  	s4 =	sld [smem:$0x3FD0];
	(tm) =	ssettm $0x1  }
0x93: {  	s5 =	sld [smem:$0x3FFB];
	_ =	sdelay $0x3  }
0x94: {  	_ =	strace s5  }
0x95: {  	s5 =	sld [smem:$0x3FFC];
	_ =	sdelay $0x3  }
0x96: {  	_ =	strace s5  }
0x97: {  	s5 =	sld [smem:$0x3FFD];
	_ =	sdelay $0x3  }
0x98: {  	_ =	strace s5  }
0x99: {  	_ =	strace $0x8FFFFFFF  }
0x9a: {  	s19 =	sld [smem:$0x3FDB];
	_ =	sdelay $0x1  }
0x9b: {  	s6 =	simm.s32 $_scs_section_size  }
0x9c: {  	s7 =	simm.s32 $_size__tile_overlayer_lowered;
	s8 =	simm.s32 $_tile_overlayer_lowered  }
0x9d: {  	s22 =	simm.s32 $0x1BFF;
	s21 =	sshll.u32 s8, $0x1;
	s5 =	sadd.s32 s6, s19  }
0x9e: {  	s9 =	simm.s32 $0x0;
	s20 =	sshll.u32 s7, $0x1;
	s7 =	sadd.s32 s21, s5  }
0x9f: {  	[timem:s9], [sflag:s22] =	dma.local [hbm:s7], s20  }
0xa0: {  	_ =	swait.ge [sflag:s22], s20  }
0xa1: {  	s6 =	ssub.s32 $0x0, s20;
	[sflag:s22] =	ssyncset.done $0x0  }
0xa2: {  	[sflag:s22] =	ssyncadd.s32 s6;
	_ =	sdelay $0x1  }
0xa3: {  	s23 =	simm.s32 $0x1B8B  }
0xa4: {  	_ =	swait.ge [sflag:s23], $0x1  }
0xa5: {  	[sflag:s23] =	ssyncset.done $0x0  }
0xa6: {  	s25 =	simm.s32 $0x1B8E;
	s24 =	sld [smem:$0x3FFE];
	[sflag:s23] =	ssyncadd.s32 $0xFFFFFFFF  }
0xa7: {  	s26 =	simm.s32 $execute0_lowered;
	[smem:$0x3FD2] =	sst s25  }
0xa8: {  	s7 =	sshll.u32 s26, $0x1;
	_ =	strace $0x80000046;
	[dreg:$0x1] =	wrdreg $0xFFFFFFFF  }
0xa9: {  	s28 =	simm.s32 $_size_execute0_lowered;
	s5 =	sadd.s32 s5, s7;
	[dreg:$0x0] =	wrdreg $0x0  }
0xaa: {  	s7 =	sshll.u32 s28, $0x1;
	[dreg:$0x2] =	wrdreg s5  }
0xab: {  	[dreg:$0x3] =	wrdreg s7  }
0xac: {  	[dreg:$0x4] =	wrdreg $0xC0  }
0xad: {  	_ =	task [dreg:s9], $0x5FFFF  }
0xae: {  	[dreg:$0x1] =	wrdreg $0xFFFFFFFF  }
0xaf: {  	[dreg:$0x0] =	wrdreg $0x60  }
0xb0: {  	[dreg:$0x2] =	wrdreg s2  }
0xb1: {  	[dreg:$0x3] =	wrdreg s18  }
0xb2: {  	[dreg:$0x4] =	wrdreg s24  }
0xb3: {  	[dreg:$0x5] =	wrdreg s4  }
0xb4: {  	[dreg:$0x6] =	wrdreg $0x9  }
0xb5: {  	_ =	task.clear_ibuf [dreg:s9], $0x7FFFF;
	_ =	strace $0x90000046  }
0xb6: {  	s29 =	simm.s32 $0x9;
	_ =	strace $0x80000048  }
0xb7: {  	_ =	swait.ge [sflag:s29], $0x1  }
0xb8: {  	[sflag:s29] =	ssyncadd.s32 $0xFFFFFFFF  }
0xb9: {  	_ =	strace $0x90000048  }
0xba: {  	_ =	sfence  }
0xbb: {  	s30 =	sld [smem:$0x0];
	_ =	sdelay $0x2  }
0xbc: {  	s31 =	sshll.u32 s1, $0xD;
	s1 =	sshrl.u32 s1, $0x2  }
0xbd: {  	s3 =	sand.u32 $0x4000, s31;
	s1 =	sadd.s32 s1, s30  }
0xbe: {  	s0 =	sor.u32 s3, s0;
	s1 =	sshll.u32 s1, $0x11  }
0xbf: {  	s0 =	sor.u32 s1, s0  }
0xc0: {  	s0 =	sadd.s32 $0x8F2B, s0  }
0xc1: {  	[sflag:s0] =	ssyncadd.remote.s32 $0x1  }
0xc2: {  	_ =	sfence.sel $0xFFFF  }
0xc3: {  	[dreg:$0x0] =	wrdreg $0xFFFFFFFF;
	(pc) =	sbr.abs _section_cstart, $3  }
0xc4: {  	[dreg:$0x1] =	wrdreg $0xFFFFFFFF  }
0xc5: {  	_ =	task.clear_ibuf [dreg:s9], $0x2FFFF;
	_ =	strace $0x9FFFFFFF  }
0xc6: {  	(tm) =	ssettm $0x7FFFFFFF  }
0xc7: {  	_ =	shalt  }
tec
execute0_lowered:
.L_overlay_start_1:
0x0: {  	(tag) =	ssettag $0x1  }
0x1: {  	s5 =	rddreg [dreg:$0x0]  }
0x2: {  	s6 =	rddreg [dreg:$0x1]  }
0x3: {  	s4 =	rddreg [dreg:$0x2]  }
0x4: {  	s7 =	rddreg [dreg:$0x3]  }
0x5: {  	s0 =	rddreg [dreg:$0x4];
	s1 =	simm.s32 $0x0  }
0x6: {  	s8 =	srdreg.scid;
	s2 =	stileid.u32;
	s12 =	simm.s32 $0x400  }
0x7: {  	s13 =	simm.s32 $0x480;
	s14 =	simm.s32 $0x100;
	s15 =	simm.s32 $0x500  }
0x8: {  	s16 =	simm.s32 $0x180;
	s17 =	simm.s32 $0x580;
	s18 =	simm.s32 $0x600  }
0x9: {  	s19 =	simm.s32 $0x280;
	s20 =	simm.s32 $0x680;
	s21 =	simm.s32 $0x300  }
0xa: {  	s22 =	simm.s32 $0x700;
	s23 =	simm.s32 $0x380;
	s24 =	simm.s32 $0x780  }
0xb: {  	s25 =	simm.s32 $0x1;
	s26 =	simm.s32 $0x2;
	s28 =	simm.s32 $0x800  }
0xc: {  	[smem:$0x7FF] =	sst s1;
	s3 =	sadd.s32 $0x400, s4;
	s8 =	sand.u32 $0x1, s8  }
0xd: {  	s10 =	sshll.u32 s2, $0x7;
	s4 =	sadd.s32 $0x1EE00, s4;
	s9 =	ssub.s32 $0x2, s8  }
0xe: {  	_ =	strace $0x80000047;
	s8 =	sshll.u32 s8, $0x6;
	s11 =	sshrl.u32 s9, $0x1  }
0xf: {  	s8 =	sor.u32 s8, s10;
	s10 =	simm.s32 $0x200;
	s9 =	ssub.s32 s9, s11  }
0x10: {  	s5 =	sadd.s32 s5, s8;
	s6 =	sadd.s32 s6, s8;
	s7 =	sadd.s32 s7, s8  }
0x11: {  	s11 =	simm.s32 $0x80;
	s8 =	smax.u32 s9, $0x1;
	s9 =	simm.s32 $0x3  }
.LBB2_1:
0x12: {  	[tilespmem:s1], [sflag:$0x3] =	stream.linear.gather [hbm4b:s5+s1], $0x200, $0x38;
	[tilespmem:$0xA00] =	vst v63  }
0x13: {  	_ =	swait.ge [sflag:s9], $0x200  }
0x14: {  	[sflag:s9] =	ssyncset.done $0x0  }
0x15: {  	[sflag:s9] =	ssyncadd.s32 $0xFFFFFE00  }
0x16: {  	[tilespmem:s10], [sflag:$0x3] =	stream.linear.gather [hbm4b:s6+s1], $0x200, $0x38;
	[tilespmem:$0xA00] =	vst v63  }
0x17: {  	_ =	swait.ge [sflag:s9], $0x200  }
0x18: {  	[sflag:s9] =	ssyncset.done $0x0  }
0x19: {  	[sflag:s9] =	ssyncadd.s32 $0xFFFFFE00  }
0x1a: {  	[tilespmem:s12], [sflag:$0x1] =	stream.indirect.gather [hbm4b:s3+s11], $0x1, s1, s11, $0xb8;
	[tilespmem:$0xA00] =	vst v63  }
0x1b: {  	_ = 	snop  }
0x1c: {  	[tilespmem:s13], [sflag:$0x1] =	stream.indirect.gather [hbm4b:s3+s11], $0x1, s11, s11, $0xb8;
	[tilespmem:$0xA00] =	vst v63  }
0x1d: {  	_ = 	snop  }
0x1e: {  	[tilespmem:s15], [sflag:$0x1] =	stream.indirect.gather [hbm4b:s3+s11], $0x1, s14, s11, $0xb8;
	[tilespmem:$0xA00] =	vst v63  }
0x1f: {  	_ = 	snop  }
0x20: {  	[tilespmem:s17], [sflag:$0x1] =	stream.indirect.gather [hbm4b:s3+s11], $0x1, s16, s11, $0xb8;
	[tilespmem:$0xA00] =	vst v63  }
0x21: {  	_ = 	snop  }
0x22: {  	[tilespmem:s18], [sflag:$0x2] =	stream.indirect.gather [hbm4b:s4+s11], $0x1, s10, s11, $0xb8;
	[tilespmem:$0xA00] =	vst v63  }
0x23: {  	_ = 	snop  }
0x24: {  	[tilespmem:s20], [sflag:$0x2] =	stream.indirect.gather [hbm4b:s4+s11], $0x1, s19, s11, $0xb8;
	[tilespmem:$0xA00] =	vst v63  }
0x25: {  	_ = 	snop  }
0x26: {  	[tilespmem:s22], [sflag:$0x2] =	stream.indirect.gather [hbm4b:s4+s11], $0x1, s21, s11, $0xb8;
	[tilespmem:$0xA00] =	vst v63  }
0x27: {  	_ = 	snop  }
0x28: {  	[tilespmem:s24], [sflag:$0x2] =	stream.indirect.gather [hbm4b:s4+s11], $0x1, s23, s11, $0xb8;
	[tilespmem:$0xA00] =	vst v63  }
0x29: {  	_ =	swait.ge [sflag:s25], $0x80  }
0x2a: {  	[sflag:s25] =	ssyncset.done $0x0  }
0x2b: {  	[sflag:s25] =	ssyncadd.s32 $0xFFFFFF80  }
0x2c: {  	_ =	swait.ge [sflag:s25], $0x80  }
0x2d: {  	[sflag:s25] =	ssyncset.done $0x0  }
0x2e: {  	[sflag:s25] =	ssyncadd.s32 $0xFFFFFF80  }
0x2f: {  	_ =	swait.ge [sflag:s25], $0x80  }
0x30: {  	[sflag:s25] =	ssyncset.done $0x0  }
0x31: {  	[sflag:s25] =	ssyncadd.s32 $0xFFFFFF80  }
0x32: {  	_ =	swait.ge [sflag:s25], $0x80  }
0x33: {  	[sflag:s25] =	ssyncset.done $0x0  }
0x34: {  	[sflag:s25] =	ssyncadd.s32 $0xFFFFFF80  }
0x35: {  	_ =	swait.ge [sflag:s26], $0x80  }
0x36: {  	[sflag:s26] =	ssyncset.done $0x0  }
0x37: {  	[sflag:s26] =	ssyncadd.s32 $0xFFFFFF80  }
0x38: {  	_ =	swait.ge [sflag:s26], $0x80  }
0x39: {  	[sflag:s26] =	ssyncset.done $0x0  }
0x3a: {  	[sflag:s26] =	ssyncadd.s32 $0xFFFFFF80  }
0x3b: {  	_ =	swait.ge [sflag:s26], $0x80  }
0x3c: {  	[sflag:s26] =	ssyncset.done $0x0  }
0x3d: {  	[sflag:s26] =	ssyncadd.s32 $0xFFFFFF80  }
0x3e: {  	_ =	swait.ge [sflag:s26], $0x80  }
0x3f: {  	[sflag:s26] =	ssyncset.done $0x0  }
0x40: {  	[sflag:s26] =	ssyncadd.s32 $0xFFFFFF80  }
0x41: {  	v0 =	vld [tilespmem:$0x400]  }
0x42: {  	v1 =	vld [tilespmem:$0x600];
	_ =	sdelay $0x4  }
0x43: {  	v0 =	vsub.f32 v1, v0;
	_ =	sdelay $0x1  }
0x44: {  	v0 =	vadd.f32 $0.0e+00, v0;
	_ =	sdelay $0x1  }
0x45: {  	v0 =	vmul.f32 $1.442695020e+00, v0;
	_ =	sdelay $0x1  }
0x46: {  	(erf) = vpow2.f32 v0  }
0x47: {  	v18 =	vld [tilespmem:$0x410]  }
0x48: {  	v19 =	vld [tilespmem:$0x610];
	_ =	sdelay $0x4  }
0x49: {  	v0 =	vsub.f32 v19, v18;
	_ =	sdelay $0x1  }
0x4a: {  	v0 =	vadd.f32 $0.0e+00, v0;
	v20 =	vpop (erf)  }
0x4b: {  	v1 =	vadd.f32 $1.000000000e+00, v20  }
0x4c: {  	v0 =	vmul.f32 $1.442695020e+00, v0  }
0x4d: {  	(erf) = vrcp.f32 v1  }
0x4e: {  	(erf) = vpow2.f32 v0  }
0x4f: {  	v21 =	vld [tilespmem:$0x420]  }
0x50: {  	v22 =	vld [tilespmem:$0x620];
	_ =	sdelay $0x4  }
0x51: {  	v1 =	vsub.f32 v22, v21  }
0x52: {  	v0 =	vpop (erf)  }
0x53: {  	v1 =	vadd.f32 $0.0e+00, v1;
	v2 =	vpop (erf)  }
0x54: {  	v2 =	vadd.f32 $1.000000000e+00, v2  }
0x55: {  	v1 =	vmul.f32 $1.442695020e+00, v1  }
0x56: {  	(erf) = vrcp.f32 v2  }
0x57: {  	(erf) = vpow2.f32 v1  }
0x58: {  	v23 =	vld [tilespmem:$0x430]  }
0x59: {  	v24 =	vld [tilespmem:$0x630];
	_ =	sdelay $0x4  }
0x5a: {  	v2 =	vsub.f32 v24, v23  }
0x5b: {  	v1 =	vpop (erf)  }
0x5c: {  	v2 =	vadd.f32 $0.0e+00, v2;
	v3 =	vpop (erf)  }
0x5d: {  	v3 =	vadd.f32 $1.000000000e+00, v3  }
0x5e: {  	v2 =	vmul.f32 $1.442695020e+00, v2  }
0x5f: {  	(erf) = vrcp.f32 v3  }
0x60: {  	(erf) = vpow2.f32 v2  }
0x61: {  	v25 =	vld [tilespmem:$0x440]  }
0x62: {  	v26 =	vld [tilespmem:$0x640];
	_ =	sdelay $0x4  }
0x63: {  	v3 =	vsub.f32 v26, v25  }
0x64: {  	v2 =	vpop (erf)  }
0x65: {  	v3 =	vadd.f32 $0.0e+00, v3;
	v4 =	vpop (erf)  }
0x66: {  	v4 =	vadd.f32 $1.000000000e+00, v4  }
0x67: {  	v3 =	vmul.f32 $1.442695020e+00, v3  }
0x68: {  	(erf) = vrcp.f32 v4  }
0x69: {  	(erf) = vpow2.f32 v3  }
0x6a: {  	v27 =	vld [tilespmem:$0x450]  }
0x6b: {  	v28 =	vld [tilespmem:$0x650];
	_ =	sdelay $0x4  }
0x6c: {  	v4 =	vsub.f32 v28, v27  }
0x6d: {  	v3 =	vpop (erf)  }
0x6e: {  	v4 =	vadd.f32 $0.0e+00, v4;
	v5 =	vpop (erf)  }
0x6f: {  	v5 =	vadd.f32 $1.000000000e+00, v5  }
0x70: {  	v4 =	vmul.f32 $1.442695020e+00, v4  }
0x71: {  	(erf) = vrcp.f32 v5  }
0x72: {  	(erf) = vpow2.f32 v4  }
0x73: {  	v29 =	vld [tilespmem:$0x460]  }
0x74: {  	v30 =	vld [tilespmem:$0x660];
	_ =	sdelay $0x4  }
0x75: {  	v5 =	vsub.f32 v30, v29  }
0x76: {  	v4 =	vpop (erf)  }
0x77: {  	v5 =	vadd.f32 $0.0e+00, v5;
	v6 =	vpop (erf)  }
0x78: {  	v6 =	vadd.f32 $1.000000000e+00, v6  }
0x79: {  	v5 =	vmul.f32 $1.442695020e+00, v5  }
0x7a: {  	(erf) = vrcp.f32 v6  }
0x7b: {  	(erf) = vpow2.f32 v5  }
0x7c: {  	v31 =	vld [tilespmem:$0x470]  }
0x7d: {  	v32 =	vld [tilespmem:$0x670];
	_ =	sdelay $0x4  }
0x7e: {  	v6 =	vsub.f32 v32, v31  }
0x7f: {  	v5 =	vpop (erf)  }
0x80: {  	v6 =	vadd.f32 $0.0e+00, v6;
	v7 =	vpop (erf)  }
0x81: {  	v7 =	vadd.f32 $1.000000000e+00, v7  }
0x82: {  	v6 =	vmul.f32 $1.442695020e+00, v6  }
0x83: {  	(erf) = vrcp.f32 v7  }
0x84: {  	(erf) = vpow2.f32 v6  }
0x85: {  	v33 =	vld [tilespmem:$0x480]  }
0x86: {  	v34 =	vld [tilespmem:$0x680];
	_ =	sdelay $0x4  }
0x87: {  	v7 =	vsub.f32 v34, v33  }
0x88: {  	v6 =	vpop (erf)  }
0x89: {  	v7 =	vadd.f32 $0.0e+00, v7;
	v8 =	vpop (erf)  }
0x8a: {  	v8 =	vadd.f32 $1.000000000e+00, v8  }
0x8b: {  	v7 =	vmul.f32 $1.442695020e+00, v7  }
0x8c: {  	(erf) = vrcp.f32 v8  }
0x8d: {  	(erf) = vpow2.f32 v7  }
0x8e: {  	v35 =	vld [tilespmem:$0x490]  }
0x8f: {  	v36 =	vld [tilespmem:$0x690];
	_ =	sdelay $0x4  }
0x90: {  	v8 =	vsub.f32 v36, v35  }
0x91: {  	v7 =	vpop (erf)  }
0x92: {  	v8 =	vadd.f32 $0.0e+00, v8;
	v9 =	vpop (erf)  }
0x93: {  	v9 =	vadd.f32 $1.000000000e+00, v9  }
0x94: {  	v8 =	vmul.f32 $1.442695020e+00, v8  }
0x95: {  	(erf) = vrcp.f32 v9  }
0x96: {  	(erf) = vpow2.f32 v8  }
0x97: {  	v37 =	vld [tilespmem:$0x4A0]  }
0x98: {  	v38 =	vld [tilespmem:$0x6A0];
	_ =	sdelay $0x4  }
0x99: {  	v9 =	vsub.f32 v38, v37  }
0x9a: {  	v8 =	vpop (erf)  }
0x9b: {  	v9 =	vadd.f32 $0.0e+00, v9;
	v10 =	vpop (erf)  }
0x9c: {  	v10 =	vadd.f32 $1.000000000e+00, v10  }
0x9d: {  	v9 =	vmul.f32 $1.442695020e+00, v9  }
0x9e: {  	(erf) = vrcp.f32 v10  }
0x9f: {  	(erf) = vpow2.f32 v9  }
0xa0: {  	v39 =	vld [tilespmem:$0x4B0]  }
0xa1: {  	v40 =	vld [tilespmem:$0x6B0];
	_ =	sdelay $0x4  }
0xa2: {  	v10 =	vsub.f32 v40, v39  }
0xa3: {  	v9 =	vpop (erf)  }
0xa4: {  	v10 =	vadd.f32 $0.0e+00, v10;
	v11 =	vpop (erf)  }
0xa5: {  	v11 =	vadd.f32 $1.000000000e+00, v11  }
0xa6: {  	v10 =	vmul.f32 $1.442695020e+00, v10  }
0xa7: {  	(erf) = vrcp.f32 v11  }
0xa8: {  	(erf) = vpow2.f32 v10  }
0xa9: {  	v41 =	vld [tilespmem:$0x4C0]  }
0xaa: {  	v42 =	vld [tilespmem:$0x6C0];
	_ =	sdelay $0x4  }
0xab: {  	v11 =	vsub.f32 v42, v41  }
0xac: {  	v10 =	vpop (erf)  }
0xad: {  	v11 =	vadd.f32 $0.0e+00, v11;
	v12 =	vpop (erf)  }
0xae: {  	v12 =	vadd.f32 $1.000000000e+00, v12  }
0xaf: {  	v11 =	vmul.f32 $1.442695020e+00, v11  }
0xb0: {  	(erf) = vrcp.f32 v12  }
0xb1: {  	(erf) = vpow2.f32 v11  }
0xb2: {  	v43 =	vld [tilespmem:$0x4D0]  }
0xb3: {  	v44 =	vld [tilespmem:$0x6D0];
	_ =	sdelay $0x4  }
0xb4: {  	v12 =	vsub.f32 v44, v43  }
0xb5: {  	v11 =	vpop (erf)  }
0xb6: {  	v12 =	vadd.f32 $0.0e+00, v12;
	v13 =	vpop (erf)  }
0xb7: {  	v13 =	vadd.f32 $1.000000000e+00, v13  }
0xb8: {  	v12 =	vmul.f32 $1.442695020e+00, v12  }
0xb9: {  	(erf) = vrcp.f32 v13  }
0xba: {  	(erf) = vpow2.f32 v12  }
0xbb: {  	v45 =	vld [tilespmem:$0x4E0]  }
0xbc: {  	v46 =	vld [tilespmem:$0x6E0];
	_ =	sdelay $0x4  }
0xbd: {  	v13 =	vsub.f32 v46, v45  }
0xbe: {  	v12 =	vpop (erf)  }
0xbf: {  	v13 =	vadd.f32 $0.0e+00, v13;
	v14 =	vpop (erf)  }
0xc0: {  	v14 =	vadd.f32 $1.000000000e+00, v14  }
0xc1: {  	v13 =	vmul.f32 $1.442695020e+00, v13  }
0xc2: {  	(erf) = vrcp.f32 v14  }
0xc3: {  	(erf) = vpow2.f32 v13  }
0xc4: {  	v47 =	vld [tilespmem:$0x4F0]  }
0xc5: {  	v48 =	vld [tilespmem:$0x6F0];
	_ =	sdelay $0x4  }
0xc6: {  	v14 =	vsub.f32 v48, v47  }
0xc7: {  	v13 =	vpop (erf)  }
0xc8: {  	v14 =	vadd.f32 $0.0e+00, v14;
	v15 =	vpop (erf)  }
0xc9: {  	v15 =	vadd.f32 $1.000000000e+00, v15  }
0xca: {  	v14 =	vmul.f32 $1.442695020e+00, v14  }
0xcb: {  	(erf) = vrcp.f32 v15  }
0xcc: {  	(erf) = vpow2.f32 v14  }
0xcd: {  	v49 =	vld [tilespmem:$0x500]  }
0xce: {  	v50 =	vld [tilespmem:$0x700];
	_ =	sdelay $0x4  }
0xcf: {  	v15 =	vsub.f32 v50, v49  }
0xd0: {  	v14 =	vpop (erf)  }
0xd1: {  	v15 =	vadd.f32 $0.0e+00, v15;
	v16 =	vpop (erf)  }
0xd2: {  	v16 =	vadd.f32 $1.000000000e+00, v16  }
0xd3: {  	v15 =	vmul.f32 $1.442695020e+00, v15  }
0xd4: {  	(erf) = vrcp.f32 v16  }
0xd5: {  	(erf) = vpow2.f32 v15  }
0xd6: {  	v51 =	vld [tilespmem:$0x510]  }
0xd7: {  	v52 =	vld [tilespmem:$0x710];
	_ =	sdelay $0x4  }
0xd8: {  	v16 =	vsub.f32 v52, v51  }
0xd9: {  	v15 =	vpop (erf)  }
0xda: {  	v16 =	vadd.f32 $0.0e+00, v16;
	v17 =	vpop (erf)  }
0xdb: {  	v17 =	vadd.f32 $1.000000000e+00, v17  }
0xdc: {  	v16 =	vmul.f32 $1.442695020e+00, v16  }
0xdd: {  	(erf) = vrcp.f32 v17  }
0xde: {  	(erf) = vpow2.f32 v16  }
0xdf: {  	v53 =	vld [tilespmem:$0x520]  }
0xe0: {  	v54 =	vld [tilespmem:$0x720];
	_ =	sdelay $0x4  }
0xe1: {  	v17 =	vsub.f32 v54, v53  }
0xe2: {  	v16 =	vpop (erf)  }
0xe3: {  	v17 =	vadd.f32 $0.0e+00, v17;
	v18 =	vpop (erf)  }
0xe4: {  	v18 =	vadd.f32 $1.000000000e+00, v18  }
0xe5: {  	v17 =	vmul.f32 $1.442695020e+00, v17  }
0xe6: {  	(erf) = vrcp.f32 v18  }
0xe7: {  	(erf) = vpow2.f32 v17  }
0xe8: {  	v55 =	vld [tilespmem:$0x530]  }
0xe9: {  	v56 =	vld [tilespmem:$0x730];
	_ =	sdelay $0x4  }
0xea: {  	v18 =	vsub.f32 v56, v55  }
0xeb: {  	v17 =	vpop (erf)  }
0xec: {  	v18 =	vadd.f32 $0.0e+00, v18;
	v19 =	vpop (erf)  }
0xed: {  	v19 =	vadd.f32 $1.000000000e+00, v19  }
0xee: {  	v18 =	vmul.f32 $1.442695020e+00, v18  }
0xef: {  	(erf) = vrcp.f32 v19  }
0xf0: {  	(erf) = vpow2.f32 v18  }
0xf1: {  	v57 =	vld [tilespmem:$0x540]  }
0xf2: {  	v58 =	vld [tilespmem:$0x740];
	_ =	sdelay $0x4  }
0xf3: {  	v19 =	vsub.f32 v58, v57  }
0xf4: {  	v18 =	vpop (erf)  }
0xf5: {  	v19 =	vadd.f32 $0.0e+00, v19;
	v20 =	vpop (erf)  }
0xf6: {  	v20 =	vadd.f32 $1.000000000e+00, v20  }
0xf7: {  	v19 =	vmul.f32 $1.442695020e+00, v19  }
0xf8: {  	(erf) = vrcp.f32 v20  }
0xf9: {  	(erf) = vpow2.f32 v19  }
0xfa: {  	v59 =	vld [tilespmem:$0x550]  }
0xfb: {  	v60 =	vld [tilespmem:$0x750];
	_ =	sdelay $0x4  }
0xfc: {  	v19 =	vsub.f32 v60, v59  }
0xfd: {  	v20 =	vpop (erf)  }
0xfe: {  	v19 =	vadd.f32 $0.0e+00, v19;
	v21 =	vpop (erf)  }
0xff: {  	v21 =	vadd.f32 $1.000000000e+00, v21  }
0x100: {  	v19 =	vmul.f32 $1.442695020e+00, v19  }
0x101: {  	(erf) = vrcp.f32 v21  }
0x102: {  	(erf) = vpow2.f32 v19  }
0x103: {  	v61 =	vld [tilespmem:$0x560]  }
0x104: {  	v62 =	vld [tilespmem:$0x760];
	_ =	sdelay $0x4  }
0x105: {  	v19 =	vsub.f32 v62, v61  }
0x106: {  	v63 =	vpop (erf)  }
0x107: {  	v19 =	vadd.f32 $0.0e+00, v19;
	v22 =	vpop (erf)  }
0x108: {  	v22 =	vadd.f32 $1.000000000e+00, v22  }
0x109: {  	v19 =	vmul.f32 $1.442695020e+00, v19  }
0x10a: {  	(erf) = vrcp.f32 v22  }
0x10b: {  	(erf) = vpow2.f32 v19  }
0x10c: {  	v32 =	vld [tilespmem:$0x570]  }
0x10d: {  	v33 =	vld [tilespmem:$0x770];
	_ =	sdelay $0x4  }
0x10e: {  	v19 =	vsub.f32 v33, v32  }
0x10f: {  	v34 =	vpop (erf)  }
0x110: {  	v19 =	vadd.f32 $0.0e+00, v19;
	v23 =	vpop (erf)  }
0x111: {  	v23 =	vadd.f32 $1.000000000e+00, v23  }
0x112: {  	v19 =	vmul.f32 $1.442695020e+00, v19  }
0x113: {  	(erf) = vrcp.f32 v23  }
0x114: {  	(erf) = vpow2.f32 v19  }
0x115: {  	v35 =	vld [tilespmem:$0x580]  }
0x116: {  	v36 =	vld [tilespmem:$0x780];
	_ =	sdelay $0x4  }
0x117: {  	v19 =	vsub.f32 v36, v35  }
0x118: {  	v37 =	vpop (erf)  }
0x119: {  	v19 =	vadd.f32 $0.0e+00, v19;
	v24 =	vpop (erf)  }
0x11a: {  	v24 =	vadd.f32 $1.000000000e+00, v24  }
0x11b: {  	v19 =	vmul.f32 $1.442695020e+00, v19  }
0x11c: {  	(erf) = vrcp.f32 v24  }
0x11d: {  	(erf) = vpow2.f32 v19  }
0x11e: {  	v38 =	vld [tilespmem:$0x590]  }
0x11f: {  	v39 =	vld [tilespmem:$0x790];
	_ =	sdelay $0x4  }
0x120: {  	v19 =	vsub.f32 v39, v38  }
0x121: {  	v40 =	vpop (erf)  }
0x122: {  	v19 =	vadd.f32 $0.0e+00, v19;
	v25 =	vpop (erf)  }
0x123: {  	v25 =	vadd.f32 $1.000000000e+00, v25  }
0x124: {  	v19 =	vmul.f32 $1.442695020e+00, v19  }
0x125: {  	(erf) = vrcp.f32 v25  }
0x126: {  	(erf) = vpow2.f32 v19  }
0x127: {  	v41 =	vld [tilespmem:$0x5A0]  }
0x128: {  	v42 =	vld [tilespmem:$0x7A0];
	_ =	sdelay $0x4  }
0x129: {  	v19 =	vsub.f32 v42, v41  }
0x12a: {  	v43 =	vpop (erf)  }
0x12b: {  	v19 =	vadd.f32 $0.0e+00, v19;
	v26 =	vpop (erf)  }
0x12c: {  	v26 =	vadd.f32 $1.000000000e+00, v26  }
0x12d: {  	v19 =	vmul.f32 $1.442695020e+00, v19  }
0x12e: {  	(erf) = vrcp.f32 v26  }
0x12f: {  	(erf) = vpow2.f32 v19  }
0x130: {  	v44 =	vld [tilespmem:$0x5B0]  }
0x131: {  	v45 =	vld [tilespmem:$0x7B0];
	_ =	sdelay $0x4  }
0x132: {  	v19 =	vsub.f32 v45, v44  }
0x133: {  	v46 =	vpop (erf)  }
0x134: {  	v19 =	vadd.f32 $0.0e+00, v19;
	v27 =	vpop (erf)  }
0x135: {  	v27 =	vadd.f32 $1.000000000e+00, v27  }
0x136: {  	v19 =	vmul.f32 $1.442695020e+00, v19  }
0x137: {  	(erf) = vrcp.f32 v27  }
0x138: {  	(erf) = vpow2.f32 v19  }
0x139: {  	v47 =	vld [tilespmem:$0x5C0]  }
0x13a: {  	v48 =	vld [tilespmem:$0x7C0];
	_ =	sdelay $0x4  }
0x13b: {  	v19 =	vsub.f32 v48, v47  }
0x13c: {  	v49 =	vpop (erf)  }
0x13d: {  	v19 =	vadd.f32 $0.0e+00, v19;
	v28 =	vpop (erf)  }
0x13e: {  	v28 =	vadd.f32 $1.000000000e+00, v28  }
0x13f: {  	v19 =	vmul.f32 $1.442695020e+00, v19  }
0x140: {  	(erf) = vrcp.f32 v28  }
0x141: {  	(erf) = vpow2.f32 v19  }
0x142: {  	v50 =	vld [tilespmem:$0x5D0]  }
0x143: {  	v51 =	vld [tilespmem:$0x7D0];
	_ =	sdelay $0x4  }
0x144: {  	v19 =	vsub.f32 v51, v50  }
0x145: {  	v52 =	vpop (erf)  }
0x146: {  	v19 =	vadd.f32 $0.0e+00, v19;
	v29 =	vpop (erf)  }
0x147: {  	v29 =	vadd.f32 $1.000000000e+00, v29  }
0x148: {  	v19 =	vmul.f32 $1.442695020e+00, v19  }
0x149: {  	(erf) = vrcp.f32 v29  }
0x14a: {  	(erf) = vpow2.f32 v19  }
0x14b: {  	v53 =	vld [tilespmem:$0x5E0]  }
0x14c: {  	v54 =	vld [tilespmem:$0x7E0];
	_ =	sdelay $0x4  }
0x14d: {  	v19 =	vsub.f32 v54, v53  }
0x14e: {  	v55 =	vpop (erf)  }
0x14f: {  	v19 =	vadd.f32 $0.0e+00, v19;
	v30 =	vpop (erf)  }
0x150: {  	v30 =	vadd.f32 $1.000000000e+00, v30  }
0x151: {  	v19 =	vmul.f32 $1.442695020e+00, v19  }
0x152: {  	(erf) = vrcp.f32 v30  }
0x153: {  	(erf) = vpow2.f32 v19  }
0x154: {  	v56 =	vld [tilespmem:$0x5F0]  }
0x155: {  	v57 =	vld [tilespmem:$0x7F0];
	_ =	sdelay $0x1  }
0x156: {  	[tilespmem:$0x800] =	vst v0  }
0x157: {  	[tilespmem:$0x810] =	vst v1  }
0x158: {  	[tilespmem:$0x820] =	vst v2  }
0x159: {  	[tilespmem:$0x830] =	vst v3;
	v58 =	vsub.f32 v57, v56  }
0x15a: {  	[tilespmem:$0x840] =	vst v4;
	v59 =	vpop (erf)  }
0x15b: {  	[tilespmem:$0x850] =	vst v5;
	v0 =	vadd.f32 $0.0e+00, v58;
	v60 =	vpop (erf)  }
0x15c: {  	[tilespmem:$0x860] =	vst v6;
	v2 =	vadd.f32 $1.000000000e+00, v60  }
0x15d: {  	[tilespmem:$0x870] =	vst v7;
	v0 =	vmul.f32 $1.442695020e+00, v0  }
0x15e: {  	[tilespmem:$0x880] =	vst v8;
	(erf) = vrcp.f32 v2  }
0x15f: {  	[tilespmem:$0x890] =	vst v9;
	(erf) = vpow2.f32 v0  }
0x160: {  	[tilespmem:$0x8A0] =	vst v10  }
0x161: {  	[tilespmem:$0x8B0] =	vst v11  }
0x162: {  	[tilespmem:$0x8C0] =	vst v12  }
0x163: {  	[tilespmem:$0x8D0] =	vst v13  }
0x164: {  	[tilespmem:$0x8E0] =	vst v14  }
0x165: {  	[tilespmem:$0x8F0] =	vst v15  }
0x166: {  	[tilespmem:$0x900] =	vst v16  }
0x167: {  	[tilespmem:$0x910] =	vst v17;
	v61 =	vpop (erf)  }
0x168: {  	[tilespmem:$0x920] =	vst v18;
	v62 =	vpop (erf)  }
0x169: {  	[tilespmem:$0x930] =	vst v20;
	v2 =	vadd.f32 $1.000000000e+00, v62  }
0x16a: {  	[tilespmem:$0x940] =	vst v63  }
0x16b: {  	[tilespmem:$0x950] =	vst v34;
	(erf) = vrcp.f32 v2  }
0x16c: {  	[tilespmem:$0x960] =	vst v37  }
0x16d: {  	[tilespmem:$0x970] =	vst v40  }
0x16e: {  	[tilespmem:$0x980] =	vst v43  }
0x16f: {  	[tilespmem:$0x990] =	vst v46  }
0x170: {  	[tilespmem:$0x9A0] =	vst v49  }
0x171: {  	[tilespmem:$0x9B0] =	vst v52  }
0x172: {  	[tilespmem:$0x9C0] =	vst v55  }
0x173: {  	[tilespmem:$0x9D0] =	vst v59  }
0x174: {  	p0 =	sne.s32 s8, $0x1;
	[tilespmem:$0x9E0] =	vst v61;
	v63 =	vpop (erf)  }
.Ltmp0:
0x175: {  	[tilespmem:$0x9F0] =	vst v63;
	(pc) =	sbr.rel @p0 .LBB2_1-.Ltmp0, $4  }
0x176: {  	[hbm4b:s7+s1] =	stream.linear.scatter [tilespmem:s28], [sflag:$0x3], $0x200, $0x38;
	[tilespmem:$0xA00] =	vst v63  }
0x177: {  	_ =	swait.ge [sflag:s9], $0x200  }
0x178: {  	[sflag:s9] =	ssyncset.done $0x0  }
0x179: {  	s8 =	sadd.s32 $0xFFFFFFFF, s8;
	[sflag:s9] =	ssyncadd.s32 $0xFFFFFE00  }
0x17a: {  	_ =	sfence.sel $0x180000  }
0x17b: {  	[bflag:$0x0] =	sbarrier.arrive $0xFFFF  }
0x17c: {  	p0 =	sne.s32 s2, $0x0;
	_ =	strace $0x90000047  }
0x17d: {  	s0 =	sadd.s32 @!p0 $0x100000, s0;
	[bflag:$0x2] =	sbarrier.arrive $0xFFFF  }
0x17e: {  	[sflag:s0] =	ssyncadd.tile.s32 @!p0 $0x1;
	_ =	shalt  }
.Lfunc_end2:
_tile_overlayer_lowered:
.L_overlay_start_2:
0x17f: {  	(tag) =	ssettag $0x2  }
0x180: {  	s0 =	rddreg [dreg:$0x0];
	s2 =	stileid.u32  }
0x181: {  	s1 =	rddreg [dreg:$0x1];
	p0 =	sne.s32 s2, $0x0  }
0x182: {  	s3 =	rddreg [dreg:$0x2];
	[bflag:$0x3] =	sbarrier.arrive $0xFFFF;
	s2 =	simm.s32 @!p0 $0x1C03  }
0x183: {  	[timem:s3], [sflag:s2] =	dma.local @!p0 [hbm:s0], s1  }
0x184: {  	s0 =	simm.s32 @!p0 $0x3  }
0x185: {  	_ =	swait.ge @!p0 [sflag:s0], s1  }
0x186: {  	s1 =	ssub.s32 @!p0 $0x0, s1;
	[sflag:s0] =	ssyncset.done @!p0 $0x0  }
0x187: {  	[sflag:s0] =	ssyncadd.s32 @!p0 s1  }
0x188: {  	[bflag:$0x3] =	sbarrier.arrive $0xFFFF  }
0x189: {  	_ =	shalt  }

</sc_bundles>
